<compile_context>
chip_gen: v7x
topology: tpu7x:2x2x1
jax: 0.10.2.dev20260603
libtpu: 0.0.44.dev20260713+nightly
codegen_flags: <defaults>
</compile_context>

<pallas_src>
import functools

import jax
import jax.numpy as jnp
from jax import lax
from jax.experimental import pallas as pl
from jax.experimental.pallas import tpu as pltpu
from jax.experimental.pallas import tpu_sc as plsc

N = 10000
E = 320000
D = 128
NP = 10240
NC = 2
NS = 16
NW = NC * NS
EPT = E // NW
K = 125
NCH = EPT // K
C = 8
NB = NCH // C
BLK = 1024
GRID = NP // BLK
RPT = NP // NS


def _hist_body(dst_hbm, zeros_hbm, hist_out, dst_v, hist_v):
    c = lax.axis_index("c")
    s = lax.axis_index("s")
    wid = c * NS + s
    pltpu.sync_copy(zeros_hbm, hist_v)
    pltpu.sync_copy(dst_hbm.at[pl.ds(wid * EPT, EPT)], dst_v)
    ones = jnp.full((16,), 1.0, jnp.float32)

    def body(i, carry):
        idx = dst_v[pl.ds(i * 16, 16)]
        plsc.addupdate_scatter(hist_v, [idx], ones)
        return carry

    lax.fori_loop(0, EPT // 16, body, 0)
    pltpu.sync_copy(hist_v, hist_out.at[wid])


def _scatter_body(z_hbm, src4, dst4, zeros_hbm, p_out,
                  src_b, dst_b, rows_v, acc, gsem, gsem2, isem):
    c = lax.axis_index("c")
    s = lax.axis_index("s")
    wid = c * NS + s
    zcp = pltpu.async_copy(zeros_hbm, acc.at[pl.ds(s * RPT, RPT)], gsem)
    s0 = pltpu.async_copy(src4.at[wid, 0], src_b.at[0], gsem2)
    d0 = pltpu.async_copy(dst4.at[wid, 0], dst_b.at[0], gsem2)
    pltpu.async_copy(src4.at[wid, 1], src_b.at[1], isem)
    pltpu.async_copy(dst4.at[wid, 1], dst_b.at[1], isem)
    zcp.wait()
    s0.wait()
    d0.wait()
    plsc.subcore_barrier()

    KH = 64

    def _gather(blk, ci_, buf):
        pltpu.async_copy(z_hbm.at[src_b.at[blk, ci_, pl.ds(0, KH)]],
                         rows_v.at[buf, pl.ds(0, KH)], gsem)
        pltpu.async_copy(z_hbm.at[src_b.at[blk, ci_, pl.ds(KH, K - KH)]],
                         rows_v.at[buf, pl.ds(KH, K - KH)], gsem2)

    def _gather_wait(blk, ci_, buf):
        pltpu.make_async_copy(z_hbm.at[src_b.at[blk, ci_, pl.ds(0, KH)]],
                              rows_v.at[buf, pl.ds(0, KH)], gsem).wait()
        pltpu.make_async_copy(z_hbm.at[src_b.at[blk, ci_, pl.ds(KH, K - KH)]],
                              rows_v.at[buf, pl.ds(KH, K - KH)], gsem2).wait()

    _gather(0, 0, 0)

    def body(j, carry):
        b = j // C
        ci = lax.rem(j, C)
        sb = lax.rem(b, 2)
        jb = lax.rem(j, 2)
        jb1 = lax.rem(j + 1, 2)
        sb1 = lax.rem(b + 1, 2)
        _gather_wait(sb, ci, jb)

        @pl.when(jnp.logical_and(ci + 1 < C, j + 1 < NCH))
        def _():
            _gather(sb, ci + 1, jb1)

        @pl.when(jnp.logical_and(ci + 1 == C, j + 1 < NCH))
        def _():
            pltpu.make_async_copy(src4.at[wid, b + 1], src_b.at[sb1],
                                  isem).wait()
            pltpu.make_async_copy(dst4.at[wid, b + 1], dst_b.at[sb1],
                                  isem).wait()
            _gather(sb1, 0, jb1)

        pltpu.sync_copy(rows_v.at[jb], acc.at[dst_b.at[sb, ci]], add=True)

        @pl.when(jnp.logical_and(ci + 1 == C, b + 2 < NB))
        def _():
            pltpu.async_copy(src4.at[wid, b + 2], src_b.at[sb], isem)
            pltpu.async_copy(dst4.at[wid, b + 2], dst_b.at[sb], isem)

        return carry

    lax.fori_loop(0, NCH, body, 0)
    plsc.subcore_barrier()
    pltpu.sync_copy(acc.at[pl.ds(s * RPT, RPT)],
                    p_out.at[c, pl.ds(s * RPT, RPT)])


def _z_body(x_ref, w_ref, h_ref, z_ref):
    xw = jnp.dot(x_ref[...], w_ref[...], preferred_element_type=jnp.float32)
    deg = 1.0 + jnp.sum(h_ref[...], axis=0, keepdims=True)
    disb = jnp.broadcast_to(lax.rsqrt(deg), (D, BLK))
    z_ref[...] = xw * disb.T


def _c_body(z_ref, p_ref, h_ref, g_ref, bt_ref, o_ref, y_sc, st_sc):
    ph = pl.program_id(0)
    i = pl.program_id(1)

    @pl.when(ph == 0)
    def _():
        deg = 1.0 + jnp.sum(h_ref[...], axis=0, keepdims=True)
        disb = jnp.broadcast_to(lax.rsqrt(deg), (D, BLK))
        y = (z_ref[...] + p_ref[0] + p_ref[1]) * disb.T
        rid = lax.broadcasted_iota(jnp.int32, (BLK, D), 0) + i * BLK
        ym = jnp.where(rid < N, y, 0.0)
        y_sc[pl.ds(i * BLK, BLK), :] = ym
        st = jnp.concatenate([jnp.sum(ym, axis=0, keepdims=True),
                              jnp.sum(ym * ym, axis=0, keepdims=True)], axis=0)

        @pl.when(i == 0)
        def _():
            st_sc[0:2, :] = st

        @pl.when(i > 0)
        def _():
            st_sc[0:2, :] += st

    @pl.when(ph == 1)
    def _():
        st = st_sc[0:2, :]
        mean = st[0:1, :] * (1.0 / N)
        var = st[1:2, :] * (1.0 / N) - mean * mean
        scale = lax.rsqrt(var + 1e-5) * g_ref[...]
        shift = bt_ref[...] - mean * scale
        o = y_sc[pl.ds(i * BLK, BLK), :] * scale + shift
        o_ref[...] = jnp.where(o >= 0, o, 0.01 * o)


@functools.lru_cache(maxsize=1)
def _build_calls():
    mesh = plsc.VectorSubcoreMesh(core_axis_name="c", subcore_axis_name="s",
                                  num_cores=NC, num_subcores=NS)
    sc_params = pltpu.CompilerParams(needs_layout_passes=False)
    hist_call = pl.kernel(
        _hist_body,
        out_type=jax.ShapeDtypeStruct((NW, NP), jnp.float32),
        mesh=mesh,
        compiler_params=sc_params,
        scratch_types=[
            pltpu.VMEM((EPT,), jnp.int32),
            pltpu.VMEM((NP,), jnp.float32),
        ],
    )
    scat_call = pl.kernel(
        _scatter_body,
        out_type=jax.ShapeDtypeStruct((NC, NP, D), jnp.float32),
        mesh=mesh,
        compiler_params=sc_params,
        scratch_types=[
            pltpu.VMEM((2, C, K), jnp.int32),
            pltpu.VMEM((2, C, K), jnp.int32),
            pltpu.VMEM((2, K, D), jnp.float32),
            pltpu.VMEM_SHARED((NP, D), jnp.float32),
            pltpu.SemaphoreType.DMA,
            pltpu.SemaphoreType.DMA,
            pltpu.SemaphoreType.DMA,
        ],
    )
    z_call = pl.pallas_call(
        _z_body,
        grid=(GRID,),
        in_specs=[
            pl.BlockSpec((BLK, D), lambda i: (i, 0)),
            pl.BlockSpec((D, D), lambda i: (0, 0)),
            pl.BlockSpec((NW, BLK), lambda i: (0, i)),
        ],
        out_specs=pl.BlockSpec((BLK, D), lambda i: (i, 0)),
        out_shape=jax.ShapeDtypeStruct((N, D), jnp.float32),
    )
    c_call = pl.pallas_call(
        _c_body,
        grid=(2, GRID),
        in_specs=[
            pl.BlockSpec((BLK, D), lambda p, i: (i * (1 - p), 0)),
            pl.BlockSpec((NC, BLK, D), lambda p, i: (0, i * (1 - p), 0)),
            pl.BlockSpec((NW, BLK), lambda p, i: (0, i * (1 - p))),
            pl.BlockSpec((1, D), lambda p, i: (0, 0)),
            pl.BlockSpec((1, D), lambda p, i: (0, 0)),
        ],
        out_specs=pl.BlockSpec((BLK, D), lambda p, i: (i * p, 0)),
        out_shape=jax.ShapeDtypeStruct((N, D), jnp.float32),
        scratch_shapes=[
            pltpu.VMEM((NP, D), jnp.float32),
            pltpu.VMEM((8, D), jnp.float32),
        ],
    )
    return hist_call, scat_call, z_call, c_call


def kernel(x, A, W, b, gamma, beta):
    hist_call, scat_call, z_call, c_call = _build_calls()
    src = A[0]
    dst = A[1]
    src4 = src.reshape(NW, NB, C, K)
    dst4 = dst.reshape(NW, NB, C, K)
    zeros_np = jnp.zeros((NP,), jnp.float32)
    zeros_acc = jnp.zeros((RPT, D), jnp.float32)
    hist = hist_call(dst, zeros_np)
    z = z_call(x, W, hist)
    p = scat_call(z, src4, dst4, zeros_acc)
    return c_call(z, p, hist, gamma.reshape(1, D), beta.reshape(1, D))

# --- scband reference (transcript-rebuilt; emitter-appended) ---
"""Pipeline reference for scband-gnn-88545045775118 (READ-ONLY COPY).

The authoritative reference and input builder live on the scoring server;
editing this copy changes nothing except your own understanding.
"""

import jax, jax.numpy as jnp
import numpy as np

N = 10000
E = 320000
D = 128


def setup_inputs(seed: int = 0) -> dict:
    key = jax.random.key(seed)
    k1, k2, k3 = jax.random.split(key, 3)
    x = jax.random.normal(k1, (N, D), dtype=jnp.float32)
    A = jax.random.randint(k2, (2, E), 0, N, dtype=jnp.int32)
    W = jax.random.normal(k3, (D, D), dtype=jnp.float32) * (1.0 / np.sqrt(D))
    b = jnp.zeros((D,), dtype=jnp.float32)
    gamma = jnp.ones((D,), dtype=jnp.float32)
    beta = jnp.zeros((D,), dtype=jnp.float32)
    return {"x": x, "A": A, "W": W, "b": b, "gamma": gamma, "beta": beta}


def _gcn_conv(x, A, W, b):
    # PyG GCNConv: add self loops, symmetric degree normalization, then scatter-add aggregation
    n = x.shape[0]
    xw = x @ W
    src = A[0]
    dst = A[1]
    loop = jnp.arange(n, dtype=src.dtype)
    src2 = jnp.concatenate([src, loop])
    dst2 = jnp.concatenate([dst, loop])
    ew = jnp.ones(src2.shape[0], dtype=x.dtype)
    deg = jnp.zeros((n,), dtype=x.dtype).at[dst2].add(ew)
    dis = jnp.where(deg > 0, jax.lax.rsqrt(deg), 0.0)
    norm = dis[src2] * dis[dst2]
    msgs = xw[src2] * norm[:, None]
    out = jnp.zeros_like(xw).at[dst2].add(msgs)
    return out + b


def _batchnorm_train(y, gamma, beta, eps=1e-5):
    mean = jnp.mean(y, axis=0)
    var = jnp.var(y, axis=0)  # biased, matches torch training-mode normalization
    return (y - mean) * jax.lax.rsqrt(var + eps) * gamma + beta


def reference(x, A, W, b, gamma, beta):
    out = _gcn_conv(x, A, W, b)
    out = _batchnorm_train(out, gamma, beta)
    out = jnp.where(out >= 0, out, 0.01 * out)  # LeakyReLU(0.01)
    # dropout p=0.0 -> identity
    return out

if __name__ == "__main__":
    import jax
    _d = setup_inputs()
    print(jax.jit(kernel)(*tuple(_d.values())))

</pallas_src>

<mosaic_0001>
#map = affine_map<(d0, d1) -> (0)>
#map1 = affine_map<(d0, d1) -> (0, 0)>
module attributes {stable_mosaic.version = 14 : i64} {
  func.func @_hist_body(%arg0: i32, %arg1: i32, %arg2: memref<320000xi32, #tpu.memory_space<hbm>>, %arg3: memref<10240xf32, #tpu.memory_space<hbm>>, %arg4: memref<32x10240xf32, #tpu.memory_space<hbm>>, %arg5: memref<10000xi32, #tpu.memory_space<vmem>>, %arg6: memref<10240xf32, #tpu.memory_space<vmem>>) attributes {dimension_semantics = [#tpu.dimension_semantics<core_parallel>, #tpu.dimension_semantics<subcore_parallel>], iteration_bounds = array<i64: 2, 16>, scalar_prefetch = 0 : i64, scratch_operands = 2 : i64, tpu.core_type = #tpu.core_type<sc_vector_subcore>, window_params = [{transform_indices = #map}, {transform_indices = #map}, {transform_indices = #map1}]} {
    %mul3A = arith.constant 16 : i32
    %mul3A_0 = arith.muli %arg0, %mul3A : i32
    %add3A = arith.addi %mul3A_0, %arg1 : i32
    "tpu.region"() ({
      %run_scoped3A = tpu.sem_alloc : memref<!tpu.dma_semaphore, #tpu.memory_space<semaphore_mem>>
      tpu.enqueue_dma source(%arg3 : memref<10240xf32, #tpu.memory_space<hbm>>) target(%arg6 : memref<10240xf32, #tpu.memory_space<vmem>>) target_semaphore(%run_scoped3A : memref<!tpu.dma_semaphore, #tpu.memory_space<semaphore_mem>>)
      tpu.wait_dma2 semaphore(%run_scoped3A : memref<!tpu.dma_semaphore, #tpu.memory_space<semaphore_mem>>) src(%arg3 : memref<10240xf32, #tpu.memory_space<hbm>>) dst(%arg6 : memref<10240xf32, #tpu.memory_space<vmem>>)
      tpu.yield
    }) : () -> ()
    %mul3A_1 = arith.constant 10000 : i32
    %mul3A_2 = arith.muli %add3A, %mul3A_1 : i32
    "tpu.region"() ({
      %run_scoped3A = tpu.sem_alloc : memref<!tpu.dma_semaphore, #tpu.memory_space<semaphore_mem>>
      %dma_start3A = tpu.memref_slice %arg2[%mul3A_2] : memref<320000xi32, #tpu.memory_space<hbm>> -> memref<10000xi32, #tpu.memory_space<hbm>>
      %dma_start3A_9 = tpu.memref_slice %arg2[%mul3A_2] : memref<320000xi32, #tpu.memory_space<hbm>> -> memref<10000xi32, #tpu.memory_space<hbm>>
      tpu.enqueue_dma source(%dma_start3A_9 : memref<10000xi32, #tpu.memory_space<hbm>>) target(%arg5 : memref<10000xi32, #tpu.memory_space<vmem>>) target_semaphore(%run_scoped3A : memref<!tpu.dma_semaphore, #tpu.memory_space<semaphore_mem>>)
      %dma_wait3A = tpu.memref_slice %arg2[%mul3A_2] : memref<320000xi32, #tpu.memory_space<hbm>> -> memref<10000xi32, #tpu.memory_space<hbm>>
      %dma_wait3A_10 = tpu.memref_slice %arg2[%mul3A_2] : memref<320000xi32, #tpu.memory_space<hbm>> -> memref<10000xi32, #tpu.memory_space<hbm>>
      tpu.wait_dma2 semaphore(%run_scoped3A : memref<!tpu.dma_semaphore, #tpu.memory_space<semaphore_mem>>) src(%dma_wait3A_10 : memref<10000xi32, #tpu.memory_space<hbm>>) dst(%arg5 : memref<10000xi32, #tpu.memory_space<vmem>>)
      tpu.yield
    }) : () -> ()
    %broadcast_in_dim3A = arith.constant 1.000000e+00 : f32
    %broadcast_in_dim3A_3 = vector.broadcast %broadcast_in_dim3A : f32 to vector<16xf32>
    %scan3A = arith.constant 0 : i32
    %scan3A_4 = arith.constant 0 : i32
    %scan3A_5 = arith.constant 625 : i32
    %scan3A_6 = arith.addi %scan3A_4, %scan3A_5 : i32
    %scan3A_7 = arith.constant 1 : i32
    scf.for %scan3A_9 = %scan3A_4 to %scan3A_6 step %scan3A_7  : i32 {
      %mul3A_10 = arith.constant 16 : i32
      %mul3A_11 = arith.muli %scan3A_9, %mul3A_10 : i32
      %get3A = arith.index_cast %mul3A_11 : i32 to index
      %get3A_12 = tpu.vector_load %arg5[%get3A] {strides = array<i32>} : memref<10000xi32, #tpu.memory_space<vmem>>, vector<16xi32>,
      tpu.vector_store_idx %arg6[%get3A_12], %broadcast_in_dim3A_3 {add = true} : memref<10240xf32, #tpu.memory_space<vmem>>[vector<16xi32>], vector<16xf32>,
    }
    %scan3A_8 = arith.constant 625 : i32
    "tpu.region"() ({
      %run_scoped3A = tpu.sem_alloc : memref<!tpu.dma_semaphore, #tpu.memory_space<semaphore_mem>>
      %dma_start3A = arith.constant 0 : i32
      %dma_start3A_9 = tpu.memref_slice %arg4[%add3A, %dma_start3A] : memref<32x10240xf32, #tpu.memory_space<hbm>> -> memref<1x10240xf32, #tpu.memory_space<hbm>>
      %dma_start3A_10 = tpu.memref_squeeze %dma_start3A_9 : memref<1x10240xf32, #tpu.memory_space<hbm>> -> memref<10240xf32, #tpu.memory_space<hbm>>
      %dma_start3A_11 = arith.constant 0 : i32
      %dma_start3A_12 = tpu.memref_slice %arg4[%add3A, %dma_start3A_11] : memref<32x10240xf32, #tpu.memory_space<hbm>> -> memref<1x10240xf32, #tpu.memory_space<hbm>>
      %dma_start3A_13 = tpu.memref_squeeze %dma_start3A_12 : memref<1x10240xf32, #tpu.memory_space<hbm>> -> memref<10240xf32, #tpu.memory_space<hbm>>
      tpu.enqueue_dma source(%arg6 : memref<10240xf32, #tpu.memory_space<vmem>>) target(%dma_start3A_13 : memref<10240xf32, #tpu.memory_space<hbm>>) target_semaphore(%run_scoped3A : memref<!tpu.dma_semaphore, #tpu.memory_space<semaphore_mem>>)
      %dma_wait3A = arith.constant 0 : i32
      %dma_wait3A_14 = tpu.memref_slice %arg4[%add3A, %dma_wait3A] : memref<32x10240xf32, #tpu.memory_space<hbm>> -> memref<1x10240xf32, #tpu.memory_space<hbm>>
      %dma_wait3A_15 = tpu.memref_squeeze %dma_wait3A_14 : memref<1x10240xf32, #tpu.memory_space<hbm>> -> memref<10240xf32, #tpu.memory_space<hbm>>
      %dma_wait3A_16 = arith.constant 0 : i32
      %dma_wait3A_17 = tpu.memref_slice %arg4[%add3A, %dma_wait3A_16] : memref<32x10240xf32, #tpu.memory_space<hbm>> -> memref<1x10240xf32, #tpu.memory_space<hbm>>
      %dma_wait3A_18 = tpu.memref_squeeze %dma_wait3A_17 : memref<1x10240xf32, #tpu.memory_space<hbm>> -> memref<10240xf32, #tpu.memory_space<hbm>>
      tpu.wait_dma2 semaphore(%run_scoped3A : memref<!tpu.dma_semaphore, #tpu.memory_space<semaphore_mem>>) src(%arg6 : memref<10240xf32, #tpu.memory_space<vmem>>) dst(%dma_wait3A_18 : memref<10240xf32, #tpu.memory_space<hbm>>)
      tpu.yield
    }) : () -> ()
    return
  }
}

#map = affine_map<(d0, d1) -> (0, 0)>
#map1 = affine_map<(d0, d1) -> (0, 0, 0, 0)>
#map2 = affine_map<(d0, d1) -> (0, 0, 0)>
module attributes {stable_mosaic.version = 14 : i64} {
  func.func @_scatter_body(%arg0: i32, %arg1: i32, %arg2: memref<10000x128xf32, #tpu.memory_space<hbm>>, %arg3: memref<32x10x8x125xi32, #tpu.memory_space<hbm>>, %arg4: memref<32x10x8x125xi32, #tpu.memory_space<hbm>>, %arg5: memref<640x128xf32, #tpu.memory_space<hbm>>, %arg6: memref<2x10240x128xf32, #tpu.memory_space<hbm>>, %arg7: memref<2x8x125xi32, #tpu.memory_space<vmem>>, %arg8: memref<2x8x125xi32, #tpu.memory_space<vmem>>, %arg9: memref<2x125x128xf32, #tpu.memory_space<vmem>>, %arg10: memref<10240x128xf32, #tpu.memory_space<vmem_shared>>, %arg11: memref<!tpu.dma_semaphore, #tpu.memory_space<semaphore_mem>>, %arg12: memref<!tpu.dma_semaphore, #tpu.memory_space<semaphore_mem>>, %arg13: memref<!tpu.dma_semaphore, #tpu.memory_space<semaphore_mem>>) attributes {dimension_semantics = [#tpu.dimension_semantics<core_parallel>, #tpu.dimension_semantics<subcore_parallel>], iteration_bounds = array<i64: 2, 16>, scalar_prefetch = 0 : i64, scratch_operands = 7 : i64, tpu.core_type = #tpu.core_type<sc_vector_subcore>, window_params = [{transform_indices = #map}, {transform_indices = #map1}, {transform_indices = #map1}, {transform_indices = #map}, {transform_indices = #map2}]} {
    %mul3A = arith.constant 16 : i32
    %mul3A_0 = arith.muli %arg0, %mul3A : i32
    %add3A = arith.addi %mul3A_0, %arg1 : i32
    %mul3A_1 = arith.constant 640 : i32
    %mul3A_2 = arith.muli %arg1, %mul3A_1 : i32
    %dma_start3A = arith.constant 0 : i32
    %dma_start3A_3 = tpu.memref_slice %arg10[%mul3A_2, %dma_start3A] : memref<10240x128xf32, #tpu.memory_space<vmem_shared>> -> memref<640x128xf32, #tpu.memory_space<vmem_shared>>
    tpu.enqueue_dma source(%arg5 : memref<640x128xf32, #tpu.memory_space<hbm>>) target(%dma_start3A_3 : memref<640x128xf32, #tpu.memory_space<vmem_shared>>) target_semaphore(%arg11 : memref<!tpu.dma_semaphore, #tpu.memory_space<semaphore_mem>>)
    %dma_start3A_4 = arith.constant 0 : i32
    %dma_start3A_5 = arith.constant 0 : i32
    %dma_start3A_6 = arith.constant 0 : i32
    %dma_start3A_7 = arith.constant 0 : i32
    %dma_start3A_8 = tpu.memref_slice %arg7[%dma_start3A_5, %dma_start3A_6, %dma_start3A_7] : memref<2x8x125xi32, #tpu.memory_space<vmem>> -> memref<1x8x125xi32, #tpu.memory_space<vmem>>
    %dma_start3A_9 = tpu.memref_squeeze %dma_start3A_8 : memref<1x8x125xi32, #tpu.memory_space<vmem>> -> memref<8x125xi32, #tpu.memory_space<vmem>>
    %dma_start3A_10 = arith.constant 0 : i32
    %dma_start3A_11 = arith.constant 0 : i32
    %dma_start3A_12 = tpu.memref_slice %arg3[%add3A, %dma_start3A_4, %dma_start3A_10, %dma_start3A_11] : memref<32x10x8x125xi32, #tpu.memory_space<hbm>> -> memref<1x1x8x125xi32, #tpu.memory_space<hbm>>
    %dma_start3A_13 = tpu.memref_squeeze %dma_start3A_12 : memref<1x1x8x125xi32, #tpu.memory_space<hbm>> -> memref<8x125xi32, #tpu.memory_space<hbm>>
    %dma_start3A_14 = arith.constant 0 : i32
    %dma_start3A_15 = arith.constant 0 : i32
    %dma_start3A_16 = tpu.memref_slice %arg7[%dma_start3A_5, %dma_start3A_14, %dma_start3A_15] : memref<2x8x125xi32, #tpu.memory_space<vmem>> -> memref<1x8x125xi32, #tpu.memory_space<vmem>>
    %dma_start3A_17 = tpu.memref_squeeze %dma_start3A_16 : memref<1x8x125xi32, #tpu.memory_space<vmem>> -> memref<8x125xi32, #tpu.memory_space<vmem>>
    %dma_start3A_18 = arith.constant 0 : i32
    %dma_start3A_19 = arith.constant 0 : i32
    %dma_start3A_20 = tpu.memref_slice %arg3[%add3A, %dma_start3A_4, %dma_start3A_18, %dma_start3A_19] : memref<32x10x8x125xi32, #tpu.memory_space<hbm>> -> memref<1x1x8x125xi32, #tpu.memory_space<hbm>>
    %dma_start3A_21 = tpu.memref_squeeze %dma_start3A_20 : memref<1x1x8x125xi32, #tpu.memory_space<hbm>> -> memref<8x125xi32, #tpu.memory_space<hbm>>
    tpu.enqueue_dma source(%dma_start3A_21 : memref<8x125xi32, #tpu.memory_space<hbm>>) target(%dma_start3A_17 : memref<8x125xi32, #tpu.memory_space<vmem>>) target_semaphore(%arg12 : memref<!tpu.dma_semaphore, #tpu.memory_space<semaphore_mem>>)
    %dma_start3A_22 = arith.constant 0 : i32
    %dma_start3A_23 = arith.constant 0 : i32
    %dma_start3A_24 = arith.constant 0 : i32
    %dma_start3A_25 = arith.constant 0 : i32
    %dma_start3A_26 = tpu.memref_slice %arg8[%dma_start3A_23, %dma_start3A_24, %dma_start3A_25] : memref<2x8x125xi32, #tpu.memory_space<vmem>> -> memref<1x8x125xi32, #tpu.memory_space<vmem>>
    %dma_start3A_27 = tpu.memref_squeeze %dma_start3A_26 : memref<1x8x125xi32, #tpu.memory_space<vmem>> -> memref<8x125xi32, #tpu.memory_space<vmem>>
    %dma_start3A_28 = arith.constant 0 : i32
    %dma_start3A_29 = arith.constant 0 : i32
    %dma_start3A_30 = tpu.memref_slice %arg4[%add3A, %dma_start3A_22, %dma_start3A_28, %dma_start3A_29] : memref<32x10x8x125xi32, #tpu.memory_space<hbm>> -> memref<1x1x8x125xi32, #tpu.memory_space<hbm>>
    %dma_start3A_31 = tpu.memref_squeeze %dma_start3A_30 : memref<1x1x8x125xi32, #tpu.memory_space<hbm>> -> memref<8x125xi32, #tpu.memory_space<hbm>>
    %dma_start3A_32 = arith.constant 0 : i32
    %dma_start3A_33 = arith.constant 0 : i32
    %dma_start3A_34 = tpu.memref_slice %arg8[%dma_start3A_23, %dma_start3A_32, %dma_start3A_33] : memref<2x8x125xi32, #tpu.memory_space<vmem>> -> memref<1x8x125xi32, #tpu.memory_space<vmem>>
    %dma_start3A_35 = tpu.memref_squeeze %dma_start3A_34 : memref<1x8x125xi32, #tpu.memory_space<vmem>> -> memref<8x125xi32, #tpu.memory_space<vmem>>
    %dma_start3A_36 = arith.constant 0 : i32
    %dma_start3A_37 = arith.constant 0 : i32
    %dma_start3A_38 = tpu.memref_slice %arg4[%add3A, %dma_start3A_22, %dma_start3A_36, %dma_start3A_37] : memref<32x10x8x125xi32, #tpu.memory_space<hbm>> -> memref<1x1x8x125xi32, #tpu.memory_space<hbm>>
    %dma_start3A_39 = tpu.memref_squeeze %dma_start3A_38 : memref<1x1x8x125xi32, #tpu.memory_space<hbm>> -> memref<8x125xi32, #tpu.memory_space<hbm>>
    tpu.enqueue_dma source(%dma_start3A_39 : memref<8x125xi32, #tpu.memory_space<hbm>>) target(%dma_start3A_35 : memref<8x125xi32, #tpu.memory_space<vmem>>) target_semaphore(%arg12 : memref<!tpu.dma_semaphore, #tpu.memory_space<semaphore_mem>>)
    %dma_start3A_40 = arith.constant 1 : i32
    %dma_start3A_41 = arith.constant 1 : i32
    %dma_start3A_42 = arith.constant 0 : i32
    %dma_start3A_43 = arith.constant 0 : i32
    %dma_start3A_44 = tpu.memref_slice %arg7[%dma_start3A_41, %dma_start3A_42, %dma_start3A_43] : memref<2x8x125xi32, #tpu.memory_space<vmem>> -> memref<1x8x125xi32, #tpu.memory_space<vmem>>
    %dma_start3A_45 = tpu.memref_squeeze %dma_start3A_44 : memref<1x8x125xi32, #tpu.memory_space<vmem>> -> memref<8x125xi32, #tpu.memory_space<vmem>>
    %dma_start3A_46 = arith.constant 0 : i32
    %dma_start3A_47 = arith.constant 0 : i32
    %dma_start3A_48 = tpu.memref_slice %arg3[%add3A, %dma_start3A_40, %dma_start3A_46, %dma_start3A_47] : memref<32x10x8x125xi32, #tpu.memory_space<hbm>> -> memref<1x1x8x125xi32, #tpu.memory_space<hbm>>
    %dma_start3A_49 = tpu.memref_squeeze %dma_start3A_48 : memref<1x1x8x125xi32, #tpu.memory_space<hbm>> -> memref<8x125xi32, #tpu.memory_space<hbm>>
    %dma_start3A_50 = arith.constant 0 : i32
    %dma_start3A_51 = arith.constant 0 : i32
    %dma_start3A_52 = tpu.memref_slice %arg7[%dma_start3A_41, %dma_start3A_50, %dma_start3A_51] : memref<2x8x125xi32, #tpu.memory_space<vmem>> -> memref<1x8x125xi32, #tpu.memory_space<vmem>>
    %dma_start3A_53 = tpu.memref_squeeze %dma_start3A_52 : memref<1x8x125xi32, #tpu.memory_space<vmem>> -> memref<8x125xi32, #tpu.memory_space<vmem>>
    %dma_start3A_54 = arith.constant 0 : i32
    %dma_start3A_55 = arith.constant 0 : i32
    %dma_start3A_56 = tpu.memref_slice %arg3[%add3A, %dma_start3A_40, %dma_start3A_54, %dma_start3A_55] : memref<32x10x8x125xi32, #tpu.memory_space<hbm>> -> memref<1x1x8x125xi32, #tpu.memory_space<hbm>>
    %dma_start3A_57 = tpu.memref_squeeze %dma_start3A_56 : memref<1x1x8x125xi32, #tpu.memory_space<hbm>> -> memref<8x125xi32, #tpu.memory_space<hbm>>
    tpu.enqueue_dma source(%dma_start3A_57 : memref<8x125xi32, #tpu.memory_space<hbm>>) target(%dma_start3A_53 : memref<8x125xi32, #tpu.memory_space<vmem>>) target_semaphore(%arg13 : memref<!tpu.dma_semaphore, #tpu.memory_space<semaphore_mem>>)
    %dma_start3A_58 = arith.constant 1 : i32
    %dma_start3A_59 = arith.constant 1 : i32
    %dma_start3A_60 = arith.constant 0 : i32
    %dma_start3A_61 = arith.constant 0 : i32
    %dma_start3A_62 = tpu.memref_slice %arg8[%dma_start3A_59, %dma_start3A_60, %dma_start3A_61] : memref<2x8x125xi32, #tpu.memory_space<vmem>> -> memref<1x8x125xi32, #tpu.memory_space<vmem>>
    %dma_start3A_63 = tpu.memref_squeeze %dma_start3A_62 : memref<1x8x125xi32, #tpu.memory_space<vmem>> -> memref<8x125xi32, #tpu.memory_space<vmem>>
    %dma_start3A_64 = arith.constant 0 : i32
    %dma_start3A_65 = arith.constant 0 : i32
    %dma_start3A_66 = tpu.memref_slice %arg4[%add3A, %dma_start3A_58, %dma_start3A_64, %dma_start3A_65] : memref<32x10x8x125xi32, #tpu.memory_space<hbm>> -> memref<1x1x8x125xi32, #tpu.memory_space<hbm>>
    %dma_start3A_67 = tpu.memref_squeeze %dma_start3A_66 : memref<1x1x8x125xi32, #tpu.memory_space<hbm>> -> memref<8x125xi32, #tpu.memory_space<hbm>>
    %dma_start3A_68 = arith.constant 0 : i32
    %dma_start3A_69 = arith.constant 0 : i32
    %dma_start3A_70 = tpu.memref_slice %arg8[%dma_start3A_59, %dma_start3A_68, %dma_start3A_69] : memref<2x8x125xi32, #tpu.memory_space<vmem>> -> memref<1x8x125xi32, #tpu.memory_space<vmem>>
    %dma_start3A_71 = tpu.memref_squeeze %dma_start3A_70 : memref<1x8x125xi32, #tpu.memory_space<vmem>> -> memref<8x125xi32, #tpu.memory_space<vmem>>
    %dma_start3A_72 = arith.constant 0 : i32
    %dma_start3A_73 = arith.constant 0 : i32
    %dma_start3A_74 = tpu.memref_slice %arg4[%add3A, %dma_start3A_58, %dma_start3A_72, %dma_start3A_73] : memref<32x10x8x125xi32, #tpu.memory_space<hbm>> -> memref<1x1x8x125xi32, #tpu.memory_space<hbm>>
    %dma_start3A_75 = tpu.memref_squeeze %dma_start3A_74 : memref<1x1x8x125xi32, #tpu.memory_space<hbm>> -> memref<8x125xi32, #tpu.memory_space<hbm>>
    tpu.enqueue_dma source(%dma_start3A_75 : memref<8x125xi32, #tpu.memory_space<hbm>>) target(%dma_start3A_71 : memref<8x125xi32, #tpu.memory_space<vmem>>) target_semaphore(%arg13 : memref<!tpu.dma_semaphore, #tpu.memory_space<semaphore_mem>>)
    %dma_wait3A = arith.constant 0 : i32
    %dma_wait3A_76 = tpu.memref_slice %arg10[%mul3A_2, %dma_wait3A] : memref<10240x128xf32, #tpu.memory_space<vmem_shared>> -> memref<640x128xf32, #tpu.memory_space<vmem_shared>>
    tpu.wait_dma2 semaphore(%arg11 : memref<!tpu.dma_semaphore, #tpu.memory_space<semaphore_mem>>) src(%arg5 : memref<640x128xf32, #tpu.memory_space<hbm>>) dst(%dma_wait3A_76 : memref<640x128xf32, #tpu.memory_space<vmem_shared>>)
    %dma_wait3A_77 = arith.constant 0 : i32
    %dma_wait3A_78 = arith.constant 0 : i32
    %dma_wait3A_79 = arith.constant 0 : i32
    %dma_wait3A_80 = arith.constant 0 : i32
    %dma_wait3A_81 = tpu.memref_slice %arg7[%dma_wait3A_78, %dma_wait3A_79, %dma_wait3A_80] : memref<2x8x125xi32, #tpu.memory_space<vmem>> -> memref<1x8x125xi32, #tpu.memory_space<vmem>>
    %dma_wait3A_82 = tpu.memref_squeeze %dma_wait3A_81 : memref<1x8x125xi32, #tpu.memory_space<vmem>> -> memref<8x125xi32, #tpu.memory_space<vmem>>
    %dma_wait3A_83 = arith.constant 0 : i32
    %dma_wait3A_84 = arith.constant 0 : i32
    %dma_wait3A_85 = tpu.memref_slice %arg3[%add3A, %dma_wait3A_77, %dma_wait3A_83, %dma_wait3A_84] : memref<32x10x8x125xi32, #tpu.memory_space<hbm>> -> memref<1x1x8x125xi32, #tpu.memory_space<hbm>>
    %dma_wait3A_86 = tpu.memref_squeeze %dma_wait3A_85 : memref<1x1x8x125xi32, #tpu.memory_space<hbm>> -> memref<8x125xi32, #tpu.memory_space<hbm>>
    %dma_wait3A_87 = arith.constant 0 : i32
    %dma_wait3A_88 = arith.constant 0 : i32
    %dma_wait3A_89 = tpu.memref_slice %arg7[%dma_wait3A_78, %dma_wait3A_87, %dma_wait3A_88] : memref<2x8x125xi32, #tpu.memory_space<vmem>> -> memref<1x8x125xi32, #tpu.memory_space<vmem>>
    %dma_wait3A_90 = tpu.memref_squeeze %dma_wait3A_89 : memref<1x8x125xi32, #tpu.memory_space<vmem>> -> memref<8x125xi32, #tpu.memory_space<vmem>>
    %dma_wait3A_91 = arith.constant 0 : i32
    %dma_wait3A_92 = arith.constant 0 : i32
    %dma_wait3A_93 = tpu.memref_slice %arg3[%add3A, %dma_wait3A_77, %dma_wait3A_91, %dma_wait3A_92] : memref<32x10x8x125xi32, #tpu.memory_space<hbm>> -> memref<1x1x8x125xi32, #tpu.memory_space<hbm>>
    %dma_wait3A_94 = tpu.memref_squeeze %dma_wait3A_93 : memref<1x1x8x125xi32, #tpu.memory_space<hbm>> -> memref<8x125xi32, #tpu.memory_space<hbm>>
    tpu.wait_dma2 semaphore(%arg12 : memref<!tpu.dma_semaphore, #tpu.memory_space<semaphore_mem>>) src(%dma_wait3A_94 : memref<8x125xi32, #tpu.memory_space<hbm>>) dst(%dma_wait3A_90 : memref<8x125xi32, #tpu.memory_space<vmem>>)
    %dma_wait3A_95 = arith.constant 0 : i32
    %dma_wait3A_96 = arith.constant 0 : i32
    %dma_wait3A_97 = arith.constant 0 : i32
    %dma_wait3A_98 = arith.constant 0 : i32
    %dma_wait3A_99 = tpu.memref_slice %arg8[%dma_wait3A_96, %dma_wait3A_97, %dma_wait3A_98] : memref<2x8x125xi32, #tpu.memory_space<vmem>> -> memref<1x8x125xi32, #tpu.memory_space<vmem>>
    %dma_wait3A_100 = tpu.memref_squeeze %dma_wait3A_99 : memref<1x8x125xi32, #tpu.memory_space<vmem>> -> memref<8x125xi32, #tpu.memory_space<vmem>>
    %dma_wait3A_101 = arith.constant 0 : i32
    %dma_wait3A_102 = arith.constant 0 : i32
    %dma_wait3A_103 = tpu.memref_slice %arg4[%add3A, %dma_wait3A_95, %dma_wait3A_101, %dma_wait3A_102] : memref<32x10x8x125xi32, #tpu.memory_space<hbm>> -> memref<1x1x8x125xi32, #tpu.memory_space<hbm>>
    %dma_wait3A_104 = tpu.memref_squeeze %dma_wait3A_103 : memref<1x1x8x125xi32, #tpu.memory_space<hbm>> -> memref<8x125xi32, #tpu.memory_space<hbm>>
    %dma_wait3A_105 = arith.constant 0 : i32
    %dma_wait3A_106 = arith.constant 0 : i32
    %dma_wait3A_107 = tpu.memref_slice %arg8[%dma_wait3A_96, %dma_wait3A_105, %dma_wait3A_106] : memref<2x8x125xi32, #tpu.memory_space<vmem>> -> memref<1x8x125xi32, #tpu.memory_space<vmem>>
    %dma_wait3A_108 = tpu.memref_squeeze %dma_wait3A_107 : memref<1x8x125xi32, #tpu.memory_space<vmem>> -> memref<8x125xi32, #tpu.memory_space<vmem>>
    %dma_wait3A_109 = arith.constant 0 : i32
    %dma_wait3A_110 = arith.constant 0 : i32
    %dma_wait3A_111 = tpu.memref_slice %arg4[%add3A, %dma_wait3A_95, %dma_wait3A_109, %dma_wait3A_110] : memref<32x10x8x125xi32, #tpu.memory_space<hbm>> -> memref<1x1x8x125xi32, #tpu.memory_space<hbm>>
    %dma_wait3A_112 = tpu.memref_squeeze %dma_wait3A_111 : memref<1x1x8x125xi32, #tpu.memory_space<hbm>> -> memref<8x125xi32, #tpu.memory_space<hbm>>
    tpu.wait_dma2 semaphore(%arg12 : memref<!tpu.dma_semaphore, #tpu.memory_space<semaphore_mem>>) src(%dma_wait3A_112 : memref<8x125xi32, #tpu.memory_space<hbm>>) dst(%dma_wait3A_108 : memref<8x125xi32, #tpu.memory_space<vmem>>)
    %barrier3A = arith.constant 0 : index
    tpu.barrier barrier_id(%barrier3A)
    %dma_start3A_113 = arith.constant 0 : i32
    %dma_start3A_114 = arith.constant 0 : i32
    %dma_start3A_115 = arith.constant 0 : i32
    %dma_start3A_116 = arith.constant 0 : i32
    %dma_start3A_117 = arith.constant 0 : i32
    %dma_start3A_118 = tpu.memref_slice %arg9[%dma_start3A_115, %dma_start3A_116, %dma_start3A_117] : memref<2x125x128xf32, #tpu.memory_space<vmem>> -> memref<1x64x128xf32, #tpu.memory_space<vmem>>
    %dma_start3A_119 = tpu.memref_squeeze %dma_start3A_118 : memref<1x64x128xf32, #tpu.memory_space<vmem>> -> memref<64x128xf32, #tpu.memory_space<vmem>>
    %dma_start3A_120 = arith.constant 0 : i32
    %dma_start3A_121 = tpu.memref_slice %arg7[%dma_start3A_113, %dma_start3A_114, %dma_start3A_120] : memref<2x8x125xi32, #tpu.memory_space<vmem>> -> memref<1x1x64xi32, #tpu.memory_space<vmem>>
    %dma_start3A_122 = tpu.memref_squeeze %dma_start3A_121 : memref<1x1x64xi32, #tpu.memory_space<vmem>> -> memref<64xi32, #tpu.memory_space<vmem>>
    %dma_start3A_123 = arith.constant 0 : i32
    %dma_start3A_124 = arith.constant 0 : i32
    %dma_start3A_125 = tpu.memref_slice %arg2[%dma_start3A_123, %dma_start3A_124] : memref<10000x128xf32, #tpu.memory_space<hbm>> -> memref<10000x128xf32, #tpu.memory_space<hbm>>
    tpu.enqueue_indirect_dma source(%dma_start3A_125 : memref<10000x128xf32, #tpu.memory_space<hbm>>) target(%dma_start3A_119 : memref<64x128xf32, #tpu.memory_space<vmem>>) offsets(%dma_start3A_122 : memref<64xi32, #tpu.memory_space<vmem>>) semaphore(%arg11 : memref<!tpu.dma_semaphore, #tpu.memory_space<semaphore_mem>>)
    %dma_start3A_126 = arith.constant 0 : i32
    %dma_start3A_127 = arith.constant 0 : i32
    %dma_start3A_128 = arith.constant 0 : i32
    %dma_start3A_129 = arith.constant 64 : i32
    %dma_start3A_130 = arith.constant 0 : i32
    %dma_start3A_131 = tpu.memref_slice %arg9[%dma_start3A_128, %dma_start3A_129, %dma_start3A_130] : memref<2x125x128xf32, #tpu.memory_space<vmem>> -> memref<1x61x128xf32, #tpu.memory_space<vmem>>
    %dma_start3A_132 = tpu.memref_squeeze %dma_start3A_131 : memref<1x61x128xf32, #tpu.memory_space<vmem>> -> memref<61x128xf32, #tpu.memory_space<vmem>>
    %dma_start3A_133 = arith.constant 64 : i32
    %dma_start3A_134 = tpu.memref_slice %arg7[%dma_start3A_126, %dma_start3A_127, %dma_start3A_133] : memref<2x8x125xi32, #tpu.memory_space<vmem>> -> memref<1x1x61xi32, #tpu.memory_space<vmem>>
    %dma_start3A_135 = tpu.memref_squeeze %dma_start3A_134 : memref<1x1x61xi32, #tpu.memory_space<vmem>> -> memref<61xi32, #tpu.memory_space<vmem>>
    %dma_start3A_136 = arith.constant 0 : i32
    %dma_start3A_137 = arith.constant 0 : i32
    %dma_start3A_138 = tpu.memref_slice %arg2[%dma_start3A_136, %dma_start3A_137] : memref<10000x128xf32, #tpu.memory_space<hbm>> -> memref<10000x128xf32, #tpu.memory_space<hbm>>
    tpu.enqueue_indirect_dma source(%dma_start3A_138 : memref<10000x128xf32, #tpu.memory_space<hbm>>) target(%dma_start3A_132 : memref<61x128xf32, #tpu.memory_space<vmem>>) offsets(%dma_start3A_135 : memref<61xi32, #tpu.memory_space<vmem>>) semaphore(%arg12 : memref<!tpu.dma_semaphore, #tpu.memory_space<semaphore_mem>>)
    %scan3A = arith.constant 0 : i32
    %scan3A_139 = arith.constant 0 : i32
    %scan3A_140 = arith.constant 80 : i32
    %scan3A_141 = arith.addi %scan3A_139, %scan3A_140 : i32
    %scan3A_142 = arith.constant 1 : i32
    scf.for %scan3A_149 = %scan3A_139 to %scan3A_141 step %scan3A_142  : i32 {
      %jit3A = arith.constant 8 : i32
      %div3A = arith.divsi %scan3A_149, %jit3A : i32
      %sign3A = arith.constant 0 : i32
      %sign3A_150 = arith.cmpi sgt, %scan3A_149, %sign3A : i32
      %sign3A_151 = arith.extui %sign3A_150 : i1 to i32
      %sign3A_152 = arith.constant 0 : i32
      %sign3A_153 = arith.cmpi slt, %scan3A_149, %sign3A_152 : i32
      %sign3A_154 = arith.extui %sign3A_153 : i1 to i32
      %sign3A_155 = arith.subi %sign3A_151, %sign3A_154 : i32
      %sign3A_156 = arith.constant 0 : i32
      %sign3A_157 = arith.cmpi sgt, %jit3A, %sign3A_156 : i32
      %sign3A_158 = arith.extui %sign3A_157 : i1 to i32
      %sign3A_159 = arith.constant 0 : i32
      %sign3A_160 = arith.cmpi slt, %jit3A, %sign3A_159 : i32
      %sign3A_161 = arith.extui %sign3A_160 : i1 to i32
      %sign3A_162 = arith.subi %sign3A_158, %sign3A_161 : i32
      %ne3A = arith.cmpi ne, %sign3A_155, %sign3A_162 : i32
      %rem3A = arith.remsi %scan3A_149, %jit3A : i32
      %ne3A_163 = arith.constant 0 : i32
      %ne3A_164 = arith.cmpi ne, %rem3A, %ne3A_163 : i32
      %and3A = arith.andi %ne3A, %ne3A_164 : i1
      %sub3A = arith.constant 1 : i32
      %sub3A_165 = arith.subi %div3A, %sub3A : i32
      %select_n3A = arith.select %and3A, %sub3A_165, %div3A : i32
      %rem3A_166 = arith.constant 8 : i32
      %rem3A_167 = arith.remsi %scan3A_149, %rem3A_166 : i32
      %rem3A_168 = arith.constant 2 : i32
      %rem3A_169 = arith.remsi %select_n3A, %rem3A_168 : i32
      %rem3A_170 = arith.constant 2 : i32
      %rem3A_171 = arith.remsi %scan3A_149, %rem3A_170 : i32
      %add3A_172 = arith.constant 1 : i32
      %add3A_173 = arith.addi %scan3A_149, %add3A_172 : i32
      %rem3A_174 = arith.constant 2 : i32
      %rem3A_175 = arith.remsi %add3A_173, %rem3A_174 : i32
      %add3A_176 = arith.constant 1 : i32
      %add3A_177 = arith.addi %select_n3A, %add3A_176 : i32
      %rem3A_178 = arith.constant 2 : i32
      %rem3A_179 = arith.remsi %add3A_177, %rem3A_178 : i32
      %dma_wait3A_180 = arith.constant 0 : i32
      %dma_wait3A_181 = arith.constant 0 : i32
      %dma_wait3A_182 = tpu.memref_slice %arg9[%rem3A_171, %dma_wait3A_180, %dma_wait3A_181] : memref<2x125x128xf32, #tpu.memory_space<vmem>> -> memref<1x64x128xf32, #tpu.memory_space<vmem>>
      %dma_wait3A_183 = tpu.memref_squeeze %dma_wait3A_182 : memref<1x64x128xf32, #tpu.memory_space<vmem>> -> memref<64x128xf32, #tpu.memory_space<vmem>>
      %dma_wait3A_184 = arith.constant 0 : i32
      %dma_wait3A_185 = tpu.memref_slice %arg7[%rem3A_169, %rem3A_167, %dma_wait3A_184] : memref<2x8x125xi32, #tpu.memory_space<vmem>> -> memref<1x1x64xi32, #tpu.memory_space<vmem>>
      %dma_wait3A_186 = tpu.memref_squeeze %dma_wait3A_185 : memref<1x1x64xi32, #tpu.memory_space<vmem>> -> memref<64xi32, #tpu.memory_space<vmem>>
      %dma_wait3A_187 = arith.constant 0 : i32
      %dma_wait3A_188 = arith.constant 0 : i32
      %dma_wait3A_189 = tpu.memref_slice %arg2[%dma_wait3A_187, %dma_wait3A_188] : memref<10000x128xf32, #tpu.memory_space<hbm>> -> memref<10000x128xf32, #tpu.memory_space<hbm>>
      tpu.wait_indirect_dma semaphore(%arg11 : memref<!tpu.dma_semaphore, #tpu.memory_space<semaphore_mem>>) src(%dma_wait3A_189 : memref<10000x128xf32, #tpu.memory_space<hbm>>) dst(%dma_wait3A_183 : memref<64x128xf32, #tpu.memory_space<vmem>>)
      %dma_wait3A_190 = arith.constant 64 : i32
      %dma_wait3A_191 = arith.constant 0 : i32
      %dma_wait3A_192 = tpu.memref_slice %arg9[%rem3A_171, %dma_wait3A_190, %dma_wait3A_191] : memref<2x125x128xf32, #tpu.memory_space<vmem>> -> memref<1x61x128xf32, #tpu.memory_space<vmem>>
      %dma_wait3A_193 = tpu.memref_squeeze %dma_wait3A_192 : memref<1x61x128xf32, #tpu.memory_space<vmem>> -> memref<61x128xf32, #tpu.memory_space<vmem>>
      %dma_wait3A_194 = arith.constant 64 : i32
      %dma_wait3A_195 = tpu.memref_slice %arg7[%rem3A_169, %rem3A_167, %dma_wait3A_194] : memref<2x8x125xi32, #tpu.memory_space<vmem>> -> memref<1x1x61xi32, #tpu.memory_space<vmem>>
      %dma_wait3A_196 = tpu.memref_squeeze %dma_wait3A_195 : memref<1x1x61xi32, #tpu.memory_space<vmem>> -> memref<61xi32, #tpu.memory_space<vmem>>
      %dma_wait3A_197 = arith.constant 0 : i32
      %dma_wait3A_198 = arith.constant 0 : i32
      %dma_wait3A_199 = tpu.memref_slice %arg2[%dma_wait3A_197, %dma_wait3A_198] : memref<10000x128xf32, #tpu.memory_space<hbm>> -> memref<10000x128xf32, #tpu.memory_space<hbm>>
      tpu.wait_indirect_dma semaphore(%arg12 : memref<!tpu.dma_semaphore, #tpu.memory_space<semaphore_mem>>) src(%dma_wait3A_199 : memref<10000x128xf32, #tpu.memory_space<hbm>>) dst(%dma_wait3A_193 : memref<61x128xf32, #tpu.memory_space<vmem>>)
      %add3A_200 = arith.constant 1 : i32
      %add3A_201 = arith.addi %rem3A_167, %add3A_200 : i32
      %lt3A = arith.constant 8 : i32
      %lt3A_202 = arith.cmpi slt, %add3A_201, %lt3A : i32
      %add3A_203 = arith.constant 1 : i32
      %add3A_204 = arith.addi %scan3A_149, %add3A_203 : i32
      %lt3A_205 = arith.constant 80 : i32
      %lt3A_206 = arith.cmpi slt, %add3A_204, %lt3A_205 : i32
      %and3A_207 = arith.andi %lt3A_202, %lt3A_206 : i1
      %convert_element_type3A = arith.extui %and3A_207 : i1 to i32
      %cond3A = arith.constant 0 : i32
      %cond3A_208 = arith.cmpi ne, %convert_element_type3A, %cond3A : i32
      scf.if %cond3A_208 {
        %add3A_232 = arith.constant 1 : i32
        %add3A_233 = arith.addi %rem3A_167, %add3A_232 : i32
        %dma_start3A_234 = arith.constant 0 : i32
        %dma_start3A_235 = arith.constant 0 : i32
        %dma_start3A_236 = tpu.memref_slice %arg9[%rem3A_175, %dma_start3A_234, %dma_start3A_235] : memref<2x125x128xf32, #tpu.memory_space<vmem>> -> memref<1x64x128xf32, #tpu.memory_space<vmem>>
        %dma_start3A_237 = tpu.memref_squeeze %dma_start3A_236 : memref<1x64x128xf32, #tpu.memory_space<vmem>> -> memref<64x128xf32, #tpu.memory_space<vmem>>
        %dma_start3A_238 = arith.constant 0 : i32
        %dma_start3A_239 = tpu.memref_slice %arg7[%rem3A_169, %add3A_233, %dma_start3A_238] : memref<2x8x125xi32, #tpu.memory_space<vmem>> -> memref<1x1x64xi32, #tpu.memory_space<vmem>>
        %dma_start3A_240 = tpu.memref_squeeze %dma_start3A_239 : memref<1x1x64xi32, #tpu.memory_space<vmem>> -> memref<64xi32, #tpu.memory_space<vmem>>
        %dma_start3A_241 = arith.constant 0 : i32
        %dma_start3A_242 = arith.constant 0 : i32
        %dma_start3A_243 = tpu.memref_slice %arg2[%dma_start3A_241, %dma_start3A_242] : memref<10000x128xf32, #tpu.memory_space<hbm>> -> memref<10000x128xf32, #tpu.memory_space<hbm>>
        tpu.enqueue_indirect_dma source(%dma_start3A_243 : memref<10000x128xf32, #tpu.memory_space<hbm>>) target(%dma_start3A_237 : memref<64x128xf32, #tpu.memory_space<vmem>>) offsets(%dma_start3A_240 : memref<64xi32, #tpu.memory_space<vmem>>) semaphore(%arg11 : memref<!tpu.dma_semaphore, #tpu.memory_space<semaphore_mem>>)
        %dma_start3A_244 = arith.constant 64 : i32
        %dma_start3A_245 = arith.constant 0 : i32
        %dma_start3A_246 = tpu.memref_slice %arg9[%rem3A_175, %dma_start3A_244, %dma_start3A_245] : memref<2x125x128xf32, #tpu.memory_space<vmem>> -> memref<1x61x128xf32, #tpu.memory_space<vmem>>
        %dma_start3A_247 = tpu.memref_squeeze %dma_start3A_246 : memref<1x61x128xf32, #tpu.memory_space<vmem>> -> memref<61x128xf32, #tpu.memory_space<vmem>>
        %dma_start3A_248 = arith.constant 64 : i32
        %dma_start3A_249 = tpu.memref_slice %arg7[%rem3A_169, %add3A_233, %dma_start3A_248] : memref<2x8x125xi32, #tpu.memory_space<vmem>> -> memref<1x1x61xi32, #tpu.memory_space<vmem>>
        %dma_start3A_250 = tpu.memref_squeeze %dma_start3A_249 : memref<1x1x61xi32, #tpu.memory_space<vmem>> -> memref<61xi32, #tpu.memory_space<vmem>>
        %dma_start3A_251 = arith.constant 0 : i32
        %dma_start3A_252 = arith.constant 0 : i32
        %dma_start3A_253 = tpu.memref_slice %arg2[%dma_start3A_251, %dma_start3A_252] : memref<10000x128xf32, #tpu.memory_space<hbm>> -> memref<10000x128xf32, #tpu.memory_space<hbm>>
        tpu.enqueue_indirect_dma source(%dma_start3A_253 : memref<10000x128xf32, #tpu.memory_space<hbm>>) target(%dma_start3A_247 : memref<61x128xf32, #tpu.memory_space<vmem>>) offsets(%dma_start3A_250 : memref<61xi32, #tpu.memory_space<vmem>>) semaphore(%arg12 : memref<!tpu.dma_semaphore, #tpu.memory_space<semaphore_mem>>)
      } else {
      }
      %add3A_209 = arith.constant 1 : i32
      %add3A_210 = arith.addi %rem3A_167, %add3A_209 : i32
      %eq3A = arith.constant 8 : i32
      %eq3A_211 = arith.cmpi eq, %add3A_210, %eq3A : i32
      %add3A_212 = arith.constant 1 : i32
      %add3A_213 = arith.addi %scan3A_149, %add3A_212 : i32
      %lt3A_214 = arith.constant 80 : i32
      %lt3A_215 = arith.cmpi slt, %add3A_213, %lt3A_214 : i32
      %and3A_216 = arith.andi %eq3A_211, %lt3A_215 : i1
      %convert_element_type3A_217 = arith.extui %and3A_216 : i1 to i32
      %cond3A_218 = arith.constant 0 : i32
      %cond3A_219 = arith.cmpi ne, %convert_element_type3A_217, %cond3A_218 : i32
      scf.if %cond3A_219 {
        %add3A_232 = arith.constant 1 : i32
        %add3A_233 = arith.addi %select_n3A, %add3A_232 : i32
        %dma_wait3A_234 = arith.constant 0 : i32
        %dma_wait3A_235 = arith.constant 0 : i32
        %dma_wait3A_236 = tpu.memref_slice %arg7[%rem3A_179, %dma_wait3A_234, %dma_wait3A_235] : memref<2x8x125xi32, #tpu.memory_space<vmem>> -> memref<1x8x125xi32, #tpu.memory_space<vmem>>
        %dma_wait3A_237 = tpu.memref_squeeze %dma_wait3A_236 : memref<1x8x125xi32, #tpu.memory_space<vmem>> -> memref<8x125xi32, #tpu.memory_space<vmem>>
        %dma_wait3A_238 = arith.constant 0 : i32
        %dma_wait3A_239 = arith.constant 0 : i32
        %dma_wait3A_240 = tpu.memref_slice %arg3[%add3A, %add3A_233, %dma_wait3A_238, %dma_wait3A_239] : memref<32x10x8x125xi32, #tpu.memory_space<hbm>> -> memref<1x1x8x125xi32, #tpu.memory_space<hbm>>
        %dma_wait3A_241 = tpu.memref_squeeze %dma_wait3A_240 : memref<1x1x8x125xi32, #tpu.memory_space<hbm>> -> memref<8x125xi32, #tpu.memory_space<hbm>>
        %dma_wait3A_242 = arith.constant 0 : i32
        %dma_wait3A_243 = arith.constant 0 : i32
        %dma_wait3A_244 = tpu.memref_slice %arg7[%rem3A_179, %dma_wait3A_242, %dma_wait3A_243] : memref<2x8x125xi32, #tpu.memory_space<vmem>> -> memref<1x8x125xi32, #tpu.memory_space<vmem>>
        %dma_wait3A_245 = tpu.memref_squeeze %dma_wait3A_244 : memref<1x8x125xi32, #tpu.memory_space<vmem>> -> memref<8x125xi32, #tpu.memory_space<vmem>>
        %dma_wait3A_246 = arith.constant 0 : i32
        %dma_wait3A_247 = arith.constant 0 : i32
        %dma_wait3A_248 = tpu.memref_slice %arg3[%add3A, %add3A_233, %dma_wait3A_246, %dma_wait3A_247] : memref<32x10x8x125xi32, #tpu.memory_space<hbm>> -> memref<1x1x8x125xi32, #tpu.memory_space<hbm>>
        %dma_wait3A_249 = tpu.memref_squeeze %dma_wait3A_248 : memref<1x1x8x125xi32, #tpu.memory_space<hbm>> -> memref<8x125xi32, #tpu.memory_space<hbm>>
        tpu.wait_dma2 semaphore(%arg13 : memref<!tpu.dma_semaphore, #tpu.memory_space<semaphore_mem>>) src(%dma_wait3A_249 : memref<8x125xi32, #tpu.memory_space<hbm>>) dst(%dma_wait3A_245 : memref<8x125xi32, #tpu.memory_space<vmem>>)
        %add3A_250 = arith.constant 1 : i32
        %add3A_251 = arith.addi %select_n3A, %add3A_250 : i32
        %dma_wait3A_252 = arith.constant 0 : i32
        %dma_wait3A_253 = arith.constant 0 : i32
        %dma_wait3A_254 = tpu.memref_slice %arg8[%rem3A_179, %dma_wait3A_252, %dma_wait3A_253] : memref<2x8x125xi32, #tpu.memory_space<vmem>> -> memref<1x8x125xi32, #tpu.memory_space<vmem>>
        %dma_wait3A_255 = tpu.memref_squeeze %dma_wait3A_254 : memref<1x8x125xi32, #tpu.memory_space<vmem>> -> memref<8x125xi32, #tpu.memory_space<vmem>>
        %dma_wait3A_256 = arith.constant 0 : i32
        %dma_wait3A_257 = arith.constant 0 : i32
        %dma_wait3A_258 = tpu.memref_slice %arg4[%add3A, %add3A_251, %dma_wait3A_256, %dma_wait3A_257] : memref<32x10x8x125xi32, #tpu.memory_space<hbm>> -> memref<1x1x8x125xi32, #tpu.memory_space<hbm>>
        %dma_wait3A_259 = tpu.memref_squeeze %dma_wait3A_258 : memref<1x1x8x125xi32, #tpu.memory_space<hbm>> -> memref<8x125xi32, #tpu.memory_space<hbm>>
        %dma_wait3A_260 = arith.constant 0 : i32
        %dma_wait3A_261 = arith.constant 0 : i32
        %dma_wait3A_262 = tpu.memref_slice %arg8[%rem3A_179, %dma_wait3A_260, %dma_wait3A_261] : memref<2x8x125xi32, #tpu.memory_space<vmem>> -> memref<1x8x125xi32, #tpu.memory_space<vmem>>
        %dma_wait3A_263 = tpu.memref_squeeze %dma_wait3A_262 : memref<1x8x125xi32, #tpu.memory_space<vmem>> -> memref<8x125xi32, #tpu.memory_space<vmem>>
        %dma_wait3A_264 = arith.constant 0 : i32
        %dma_wait3A_265 = arith.constant 0 : i32
        %dma_wait3A_266 = tpu.memref_slice %arg4[%add3A, %add3A_251, %dma_wait3A_264, %dma_wait3A_265] : memref<32x10x8x125xi32, #tpu.memory_space<hbm>> -> memref<1x1x8x125xi32, #tpu.memory_space<hbm>>
        %dma_wait3A_267 = tpu.memref_squeeze %dma_wait3A_266 : memref<1x1x8x125xi32, #tpu.memory_space<hbm>> -> memref<8x125xi32, #tpu.memory_space<hbm>>
        tpu.wait_dma2 semaphore(%arg13 : memref<!tpu.dma_semaphore, #tpu.memory_space<semaphore_mem>>) src(%dma_wait3A_267 : memref<8x125xi32, #tpu.memory_space<hbm>>) dst(%dma_wait3A_263 : memref<8x125xi32, #tpu.memory_space<vmem>>)
        %dma_start3A_268 = arith.constant 0 : i32
        %dma_start3A_269 = arith.constant 0 : i32
        %dma_start3A_270 = arith.constant 0 : i32
        %dma_start3A_271 = tpu.memref_slice %arg9[%rem3A_175, %dma_start3A_269, %dma_start3A_270] : memref<2x125x128xf32, #tpu.memory_space<vmem>> -> memref<1x64x128xf32, #tpu.memory_space<vmem>>
        %dma_start3A_272 = tpu.memref_squeeze %dma_start3A_271 : memref<1x64x128xf32, #tpu.memory_space<vmem>> -> memref<64x128xf32, #tpu.memory_space<vmem>>
        %dma_start3A_273 = arith.constant 0 : i32
        %dma_start3A_274 = tpu.memref_slice %arg7[%rem3A_179, %dma_start3A_268, %dma_start3A_273] : memref<2x8x125xi32, #tpu.memory_space<vmem>> -> memref<1x1x64xi32, #tpu.memory_space<vmem>>
        %dma_start3A_275 = tpu.memref_squeeze %dma_start3A_274 : memref<1x1x64xi32, #tpu.memory_space<vmem>> -> memref<64xi32, #tpu.memory_space<vmem>>
        %dma_start3A_276 = arith.constant 0 : i32
        %dma_start3A_277 = arith.constant 0 : i32
        %dma_start3A_278 = tpu.memref_slice %arg2[%dma_start3A_276, %dma_start3A_277] : memref<10000x128xf32, #tpu.memory_space<hbm>> -> memref<10000x128xf32, #tpu.memory_space<hbm>>
        tpu.enqueue_indirect_dma source(%dma_start3A_278 : memref<10000x128xf32, #tpu.memory_space<hbm>>) target(%dma_start3A_272 : memref<64x128xf32, #tpu.memory_space<vmem>>) offsets(%dma_start3A_275 : memref<64xi32, #tpu.memory_space<vmem>>) semaphore(%arg11 : memref<!tpu.dma_semaphore, #tpu.memory_space<semaphore_mem>>)
        %dma_start3A_279 = arith.constant 0 : i32
        %dma_start3A_280 = arith.constant 64 : i32
        %dma_start3A_281 = arith.constant 0 : i32
        %dma_start3A_282 = tpu.memref_slice %arg9[%rem3A_175, %dma_start3A_280, %dma_start3A_281] : memref<2x125x128xf32, #tpu.memory_space<vmem>> -> memref<1x61x128xf32, #tpu.memory_space<vmem>>
        %dma_start3A_283 = tpu.memref_squeeze %dma_start3A_282 : memref<1x61x128xf32, #tpu.memory_space<vmem>> -> memref<61x128xf32, #tpu.memory_space<vmem>>
        %dma_start3A_284 = arith.constant 64 : i32
        %dma_start3A_285 = tpu.memref_slice %arg7[%rem3A_179, %dma_start3A_279, %dma_start3A_284] : memref<2x8x125xi32, #tpu.memory_space<vmem>> -> memref<1x1x61xi32, #tpu.memory_space<vmem>>
        %dma_start3A_286 = tpu.memref_squeeze %dma_start3A_285 : memref<1x1x61xi32, #tpu.memory_space<vmem>> -> memref<61xi32, #tpu.memory_space<vmem>>
        %dma_start3A_287 = arith.constant 0 : i32
        %dma_start3A_288 = arith.constant 0 : i32
        %dma_start3A_289 = tpu.memref_slice %arg2[%dma_start3A_287, %dma_start3A_288] : memref<10000x128xf32, #tpu.memory_space<hbm>> -> memref<10000x128xf32, #tpu.memory_space<hbm>>
        tpu.enqueue_indirect_dma source(%dma_start3A_289 : memref<10000x128xf32, #tpu.memory_space<hbm>>) target(%dma_start3A_283 : memref<61x128xf32, #tpu.memory_space<vmem>>) offsets(%dma_start3A_286 : memref<61xi32, #tpu.memory_space<vmem>>) semaphore(%arg12 : memref<!tpu.dma_semaphore, #tpu.memory_space<semaphore_mem>>)
      } else {
      }
      "tpu.region"() ({
        %run_scoped3A = tpu.sem_alloc : memref<!tpu.dma_semaphore, #tpu.memory_space<semaphore_mem>>
        %dma_start3A_232 = arith.constant 0 : i32
        %dma_start3A_233 = arith.constant 0 : i32
        %dma_start3A_234 = tpu.memref_slice %arg9[%rem3A_171, %dma_start3A_232, %dma_start3A_233] : memref<2x125x128xf32, #tpu.memory_space<vmem>> -> memref<1x125x128xf32, #tpu.memory_space<vmem>>
        %dma_start3A_235 = tpu.memref_squeeze %dma_start3A_234 : memref<1x125x128xf32, #tpu.memory_space<vmem>> -> memref<125x128xf32, #tpu.memory_space<vmem>>
        %dma_start3A_236 = arith.constant 0 : i32
        %dma_start3A_237 = tpu.memref_slice %arg8[%rem3A_169, %rem3A_167, %dma_start3A_236] : memref<2x8x125xi32, #tpu.memory_space<vmem>> -> memref<1x1x125xi32, #tpu.memory_space<vmem>>
        %dma_start3A_238 = tpu.memref_squeeze %dma_start3A_237 : memref<1x1x125xi32, #tpu.memory_space<vmem>> -> memref<125xi32, #tpu.memory_space<vmem>>
        %dma_start3A_239 = arith.constant 0 : i32
        %dma_start3A_240 = arith.constant 0 : i32
        %dma_start3A_241 = tpu.memref_slice %arg10[%dma_start3A_239, %dma_start3A_240] : memref<10240x128xf32, #tpu.memory_space<vmem_shared>> -> memref<10240x128xf32, #tpu.memory_space<vmem_shared>>
        tpu.enqueue_indirect_dma source(%dma_start3A_235 : memref<125x128xf32, #tpu.memory_space<vmem>>) target(%dma_start3A_241 : memref<10240x128xf32, #tpu.memory_space<vmem_shared>>) offsets(%dma_start3A_238 : memref<125xi32, #tpu.memory_space<vmem>>) semaphore(%run_scoped3A : memref<!tpu.dma_semaphore, #tpu.memory_space<semaphore_mem>>) {add = true}
        %dma_wait3A_242 = arith.constant 0 : i32
        %dma_wait3A_243 = arith.constant 0 : i32
        %dma_wait3A_244 = tpu.memref_slice %arg9[%rem3A_171, %dma_wait3A_242, %dma_wait3A_243] : memref<2x125x128xf32, #tpu.memory_space<vmem>> -> memref<1x125x128xf32, #tpu.memory_space<vmem>>
        %dma_wait3A_245 = tpu.memref_squeeze %dma_wait3A_244 : memref<1x125x128xf32, #tpu.memory_space<vmem>> -> memref<125x128xf32, #tpu.memory_space<vmem>>
        %dma_wait3A_246 = arith.constant 0 : i32
        %dma_wait3A_247 = tpu.memref_slice %arg8[%rem3A_169, %rem3A_167, %dma_wait3A_246] : memref<2x8x125xi32, #tpu.memory_space<vmem>> -> memref<1x1x125xi32, #tpu.memory_space<vmem>>
        %dma_wait3A_248 = tpu.memref_squeeze %dma_wait3A_247 : memref<1x1x125xi32, #tpu.memory_space<vmem>> -> memref<125xi32, #tpu.memory_space<vmem>>
        %dma_wait3A_249 = arith.constant 0 : i32
        %dma_wait3A_250 = arith.constant 0 : i32
        %dma_wait3A_251 = tpu.memref_slice %arg10[%dma_wait3A_249, %dma_wait3A_250] : memref<10240x128xf32, #tpu.memory_space<vmem_shared>> -> memref<10240x128xf32, #tpu.memory_space<vmem_shared>>
        tpu.wait_indirect_dma semaphore(%run_scoped3A : memref<!tpu.dma_semaphore, #tpu.memory_space<semaphore_mem>>) src(%dma_wait3A_245 : memref<125x128xf32, #tpu.memory_space<vmem>>) dst(%dma_wait3A_251 : memref<10240x128xf32, #tpu.memory_space<vmem_shared>>)
        tpu.yield
      }) : () -> ()
      %add3A_220 = arith.constant 1 : i32
      %add3A_221 = arith.addi %rem3A_167, %add3A_220 : i32
      %eq3A_222 = arith.constant 8 : i32
      %eq3A_223 = arith.cmpi eq, %add3A_221, %eq3A_222 : i32
      %add3A_224 = arith.constant 2 : i32
      %add3A_225 = arith.addi %select_n3A, %add3A_224 : i32
      %lt3A_226 = arith.constant 10 : i32
      %lt3A_227 = arith.cmpi slt, %add3A_225, %lt3A_226 : i32
      %and3A_228 = arith.andi %eq3A_223, %lt3A_227 : i1
      %convert_element_type3A_229 = arith.extui %and3A_228 : i1 to i32
      %cond3A_230 = arith.constant 0 : i32
      %cond3A_231 = arith.cmpi ne, %convert_element_type3A_229, %cond3A_230 : i32
      scf.if %cond3A_231 {
        %add3A_232 = arith.constant 2 : i32
        %add3A_233 = arith.addi %select_n3A, %add3A_232 : i32
        %dma_start3A_234 = arith.constant 0 : i32
        %dma_start3A_235 = arith.constant 0 : i32
        %dma_start3A_236 = tpu.memref_slice %arg7[%rem3A_169, %dma_start3A_234, %dma_start3A_235] : memref<2x8x125xi32, #tpu.memory_space<vmem>> -> memref<1x8x125xi32, #tpu.memory_space<vmem>>
        %dma_start3A_237 = tpu.memref_squeeze %dma_start3A_236 : memref<1x8x125xi32, #tpu.memory_space<vmem>> -> memref<8x125xi32, #tpu.memory_space<vmem>>
        %dma_start3A_238 = arith.constant 0 : i32
        %dma_start3A_239 = arith.constant 0 : i32
        %dma_start3A_240 = tpu.memref_slice %arg3[%add3A, %add3A_233, %dma_start3A_238, %dma_start3A_239] : memref<32x10x8x125xi32, #tpu.memory_space<hbm>> -> memref<1x1x8x125xi32, #tpu.memory_space<hbm>>
        %dma_start3A_241 = tpu.memref_squeeze %dma_start3A_240 : memref<1x1x8x125xi32, #tpu.memory_space<hbm>> -> memref<8x125xi32, #tpu.memory_space<hbm>>
        %dma_start3A_242 = arith.constant 0 : i32
        %dma_start3A_243 = arith.constant 0 : i32
        %dma_start3A_244 = tpu.memref_slice %arg7[%rem3A_169, %dma_start3A_242, %dma_start3A_243] : memref<2x8x125xi32, #tpu.memory_space<vmem>> -> memref<1x8x125xi32, #tpu.memory_space<vmem>>
        %dma_start3A_245 = tpu.memref_squeeze %dma_start3A_244 : memref<1x8x125xi32, #tpu.memory_space<vmem>> -> memref<8x125xi32, #tpu.memory_space<vmem>>
        %dma_start3A_246 = arith.constant 0 : i32
        %dma_start3A_247 = arith.constant 0 : i32
        %dma_start3A_248 = tpu.memref_slice %arg3[%add3A, %add3A_233, %dma_start3A_246, %dma_start3A_247] : memref<32x10x8x125xi32, #tpu.memory_space<hbm>> -> memref<1x1x8x125xi32, #tpu.memory_space<hbm>>
        %dma_start3A_249 = tpu.memref_squeeze %dma_start3A_248 : memref<1x1x8x125xi32, #tpu.memory_space<hbm>> -> memref<8x125xi32, #tpu.memory_space<hbm>>
        tpu.enqueue_dma source(%dma_start3A_249 : memref<8x125xi32, #tpu.memory_space<hbm>>) target(%dma_start3A_245 : memref<8x125xi32, #tpu.memory_space<vmem>>) target_semaphore(%arg13 : memref<!tpu.dma_semaphore, #tpu.memory_space<semaphore_mem>>)
        %add3A_250 = arith.constant 2 : i32
        %add3A_251 = arith.addi %select_n3A, %add3A_250 : i32
        %dma_start3A_252 = arith.constant 0 : i32
        %dma_start3A_253 = arith.constant 0 : i32
        %dma_start3A_254 = tpu.memref_slice %arg8[%rem3A_169, %dma_start3A_252, %dma_start3A_253] : memref<2x8x125xi32, #tpu.memory_space<vmem>> -> memref<1x8x125xi32, #tpu.memory_space<vmem>>
        %dma_start3A_255 = tpu.memref_squeeze %dma_start3A_254 : memref<1x8x125xi32, #tpu.memory_space<vmem>> -> memref<8x125xi32, #tpu.memory_space<vmem>>
        %dma_start3A_256 = arith.constant 0 : i32
        %dma_start3A_257 = arith.constant 0 : i32
        %dma_start3A_258 = tpu.memref_slice %arg4[%add3A, %add3A_251, %dma_start3A_256, %dma_start3A_257] : memref<32x10x8x125xi32, #tpu.memory_space<hbm>> -> memref<1x1x8x125xi32, #tpu.memory_space<hbm>>
        %dma_start3A_259 = tpu.memref_squeeze %dma_start3A_258 : memref<1x1x8x125xi32, #tpu.memory_space<hbm>> -> memref<8x125xi32, #tpu.memory_space<hbm>>
        %dma_start3A_260 = arith.constant 0 : i32
        %dma_start3A_261 = arith.constant 0 : i32
        %dma_start3A_262 = tpu.memref_slice %arg8[%rem3A_169, %dma_start3A_260, %dma_start3A_261] : memref<2x8x125xi32, #tpu.memory_space<vmem>> -> memref<1x8x125xi32, #tpu.memory_space<vmem>>
        %dma_start3A_263 = tpu.memref_squeeze %dma_start3A_262 : memref<1x8x125xi32, #tpu.memory_space<vmem>> -> memref<8x125xi32, #tpu.memory_space<vmem>>
        %dma_start3A_264 = arith.constant 0 : i32
        %dma_start3A_265 = arith.constant 0 : i32
        %dma_start3A_266 = tpu.memref_slice %arg4[%add3A, %add3A_251, %dma_start3A_264, %dma_start3A_265] : memref<32x10x8x125xi32, #tpu.memory_space<hbm>> -> memref<1x1x8x125xi32, #tpu.memory_space<hbm>>
        %dma_start3A_267 = tpu.memref_squeeze %dma_start3A_266 : memref<1x1x8x125xi32, #tpu.memory_space<hbm>> -> memref<8x125xi32, #tpu.memory_space<hbm>>
        tpu.enqueue_dma source(%dma_start3A_267 : memref<8x125xi32, #tpu.memory_space<hbm>>) target(%dma_start3A_263 : memref<8x125xi32, #tpu.memory_space<vmem>>) target_semaphore(%arg13 : memref<!tpu.dma_semaphore, #tpu.memory_space<semaphore_mem>>)
      } else {
      }
    }
    %scan3A_143 = arith.constant 80 : i32
    %barrier3A_144 = arith.constant 0 : index
    tpu.barrier barrier_id(%barrier3A_144)
    %mul3A_145 = arith.constant 640 : i32
    %mul3A_146 = arith.muli %arg1, %mul3A_145 : i32
    %mul3A_147 = arith.constant 640 : i32
    %mul3A_148 = arith.muli %arg1, %mul3A_147 : i32
    "tpu.region"() ({
      %run_scoped3A = tpu.sem_alloc : memref<!tpu.dma_semaphore, #tpu.memory_space<semaphore_mem>>
      %dma_start3A_149 = arith.constant 0 : i32
      %dma_start3A_150 = tpu.memref_slice %arg6[%arg0, %mul3A_148, %dma_start3A_149] : memref<2x10240x128xf32, #tpu.memory_space<hbm>> -> memref<1x640x128xf32, #tpu.memory_space<hbm>>
      %dma_start3A_151 = tpu.memref_squeeze %dma_start3A_150 : memref<1x640x128xf32, #tpu.memory_space<hbm>> -> memref<640x128xf32, #tpu.memory_space<hbm>>
      %dma_start3A_152 = arith.constant 0 : i32
      %dma_start3A_153 = tpu.memref_slice %arg10[%mul3A_146, %dma_start3A_152] : memref<10240x128xf32, #tpu.memory_space<vmem_shared>> -> memref<640x128xf32, #tpu.memory_space<vmem_shared>>
      tpu.enqueue_dma source(%dma_start3A_153 : memref<640x128xf32, #tpu.memory_space<vmem_shared>>) target(%dma_start3A_151 : memref<640x128xf32, #tpu.memory_space<hbm>>) target_semaphore(%run_scoped3A : memref<!tpu.dma_semaphore, #tpu.memory_space<semaphore_mem>>)
      %dma_wait3A_154 = arith.constant 0 : i32
      %dma_wait3A_155 = tpu.memref_slice %arg6[%arg0, %mul3A_148, %dma_wait3A_154] : memref<2x10240x128xf32, #tpu.memory_space<hbm>> -> memref<1x640x128xf32, #tpu.memory_space<hbm>>
      %dma_wait3A_156 = tpu.memref_squeeze %dma_wait3A_155 : memref<1x640x128xf32, #tpu.memory_space<hbm>> -> memref<640x128xf32, #tpu.memory_space<hbm>>
      %dma_wait3A_157 = arith.constant 0 : i32
      %dma_wait3A_158 = tpu.memref_slice %arg10[%mul3A_146, %dma_wait3A_157] : memref<10240x128xf32, #tpu.memory_space<vmem_shared>> -> memref<640x128xf32, #tpu.memory_space<vmem_shared>>
      tpu.wait_dma2 semaphore(%run_scoped3A : memref<!tpu.dma_semaphore, #tpu.memory_space<semaphore_mem>>) src(%dma_wait3A_158 : memref<640x128xf32, #tpu.memory_space<vmem_shared>>) dst(%dma_wait3A_156 : memref<640x128xf32, #tpu.memory_space<hbm>>)
      tpu.yield
    }) : () -> ()
    return
  }
}

module attributes {stable_mosaic.version = 14 : i64} {
  func.func @_z_body(%arg0: i32, %arg1: memref<1024x128xf32, #tpu.memory_space<vmem>>, %arg2: memref<128x128xf32, #tpu.memory_space<vmem>>, %arg3: memref<32x1024xf32, #tpu.memory_space<vmem>>, %arg4: memref<1024x128xf32, #tpu.memory_space<vmem>>) attributes {dimension_semantics = [#tpu.dimension_semantics<arbitrary>], iteration_bounds = array<i64: 10>, scalar_prefetch = 0 : i64, scratch_operands = 0 : i64, tpu.core_type = #tpu.core_type<tc>, window_params = [{transform_indices = @transform_0, window_bounds = array<i64: 1024, 128>}, {pipeline_mode = #tpu.pipeline_mode<synchronous>, transform_indices = @transform_1, window_bounds = array<i64: 128, 128>}, {transform_indices = @transform_2, window_bounds = array<i64: 32, 1024>}, {transform_indices = @transform_3, window_bounds = array<i64: 1024, 128>}]} {
    %get3A = arith.constant 0 : index
    %get3A_0 = arith.constant 0 : index
    %get3A_1 = vector.load %arg1[%get3A, %get3A_0] : memref<1024x128xf32, #tpu.memory_space<vmem>>, vector<1024x128xf32>
    %get3A_2 = arith.constant 0 : index
    %get3A_3 = arith.constant 0 : index
    %get3A_4 = vector.load %arg2[%get3A_2, %get3A_3] : memref<128x128xf32, #tpu.memory_space<vmem>>, vector<128x128xf32>
    %dot_general3A = arith.constant dense<0.000000e+00> : vector<1024x128xf32>
    %dot_general3A_5 = tpu.matmul %get3A_1, %get3A_4, %dot_general3A {dimension_numbers = #tpu.dot_dimension_numbers<[1], [0], [0], [1], [0, 0, 1, 1], [], []>, transpose_lhs_hint = false} : vector<1024x128xf32>, vector<128x128xf32>, vector<1024x128xf32> -> vector<1024x128xf32>
    %get3A_6 = arith.constant 0 : index
    %get3A_7 = arith.constant 0 : index
    %get3A_8 = vector.load %arg3[%get3A_6, %get3A_7] : memref<32x1024xf32, #tpu.memory_space<vmem>>, vector<32x1024xf32>
    %reduce_sum3A = arith.constant dense<0.000000e+00> : vector<1024xf32>
    %reduce_sum3A_9 = vector.multi_reduction <add>, %get3A_8, %reduce_sum3A [0] : vector<32x1024xf32> to vector<1024xf32>
    %broadcast_in_dim3A = vector.shape_cast %reduce_sum3A_9 : vector<1024xf32> to vector<1x1024xf32>
    %add3A = arith.constant 1.000000e+00 : f32
    %add3A_10 = vector.broadcast %add3A : f32 to vector<1x1024xf32>
    %add3A_11 = arith.addf %add3A_10, %broadcast_in_dim3A : vector<1x1024xf32>
    %rsqrt3A = math.rsqrt %add3A_11 : vector<1x1024xf32>
    %broadcast_in_dim3A_12 = vector.shape_cast %rsqrt3A : vector<1x1024xf32> to vector<1x1024xf32>
    %broadcast_in_dim3A_13 = vector.broadcast %broadcast_in_dim3A_12 : vector<1x1024xf32> to vector<128x1024xf32>
    %transpose3A = tpu.transpose %broadcast_in_dim3A_13, [1, 0] : vector<128x1024xf32> -> vector<1024x128xf32>
    %mul3A = arith.mulf %dot_general3A_5, %transpose3A : vector<1024x128xf32>
    %swap3A = arith.constant 0 : index
    %swap3A_14 = arith.constant 0 : index
    %swap3A_15 = vector.load %arg4[%swap3A, %swap3A_14] : memref<1024x128xf32, #tpu.memory_space<vmem>>, vector<1024x128xf32>
    tpu.vector_store %arg4[%swap3A, %swap3A_14], %mul3A {strides = array<i32>} : memref<1024x128xf32, #tpu.memory_space<vmem>>, vector<1024x128xf32>,
    return
  }
  func.func @transform_0(%arg0: i32) -> (i32, i32) {
    %c0_i32 = arith.constant 0 : i32
    %c0_i32_0 = arith.constant 0 : i32
    return %arg0, %c0_i32 : i32, i32
  }
  func.func @transform_1(%arg0: i32) -> (i32, i32) {
    %c0_i32 = arith.constant 0 : i32
    %c0_i32_0 = arith.constant 0 : i32
    %c0_i32_1 = arith.constant 0 : i32
    return %c0_i32, %c0_i32_0 : i32, i32
  }
  func.func @transform_2(%arg0: i32) -> (i32, i32) {
    %c0_i32 = arith.constant 0 : i32
    %c0_i32_0 = arith.constant 0 : i32
    return %c0_i32, %arg0 : i32, i32
  }
  func.func @transform_3(%arg0: i32) -> (i32, i32) {
    %c0_i32 = arith.constant 0 : i32
    %c0_i32_0 = arith.constant 0 : i32
    return %arg0, %c0_i32 : i32, i32
  }
}

module attributes {stable_mosaic.version = 14 : i64} {
  func.func @_c_body(%arg0: i32, %arg1: i32, %arg2: memref<1024x128xf32, #tpu.memory_space<vmem>>, %arg3: memref<2x1024x128xf32, #tpu.memory_space<vmem>>, %arg4: memref<32x1024xf32, #tpu.memory_space<vmem>>, %arg5: memref<1x128xf32, #tpu.memory_space<vmem>>, %arg6: memref<1x128xf32, #tpu.memory_space<vmem>>, %arg7: memref<1024x128xf32, #tpu.memory_space<vmem>>, %arg8: memref<10240x128xf32, #tpu.memory_space<vmem>>, %arg9: memref<8x128xf32, #tpu.memory_space<vmem>>) attributes {dimension_semantics = [#tpu.dimension_semantics<arbitrary>, #tpu.dimension_semantics<arbitrary>], iteration_bounds = array<i64: 2, 10>, scalar_prefetch = 0 : i64, scratch_operands = 2 : i64, tpu.core_type = #tpu.core_type<tc>, window_params = [{transform_indices = @transform_0, window_bounds = array<i64: 1024, 128>}, {transform_indices = @transform_1, window_bounds = array<i64: 2, 1024, 128>}, {transform_indices = @transform_2, window_bounds = array<i64: 32, 1024>}, {pipeline_mode = #tpu.pipeline_mode<synchronous>, transform_indices = @transform_3, window_bounds = array<i64: 1, 128>}, {pipeline_mode = #tpu.pipeline_mode<synchronous>, transform_indices = @transform_4, window_bounds = array<i64: 1, 128>}, {transform_indices = @transform_5, window_bounds = array<i64: 1024, 128>}]} {
    %eq3A = arith.constant 0 : i32
    %eq3A_0 = arith.cmpi eq, %arg0, %eq3A : i32
    %convert_element_type3A = arith.extui %eq3A_0 : i1 to i32
    %cond3A = arith.constant 0 : i32
    %cond3A_1 = arith.cmpi ne, %convert_element_type3A, %cond3A : i32
    scf.if %cond3A_1 {
      %get3A = arith.constant 0 : index
      %get3A_7 = arith.constant 0 : index
      %get3A_8 = vector.load %arg4[%get3A, %get3A_7] : memref<32x1024xf32, #tpu.memory_space<vmem>>, vector<32x1024xf32>
      %reduce_sum3A = arith.constant dense<0.000000e+00> : vector<1024xf32>
      %reduce_sum3A_9 = vector.multi_reduction <add>, %get3A_8, %reduce_sum3A [0] : vector<32x1024xf32> to vector<1024xf32>
      %broadcast_in_dim3A = vector.shape_cast %reduce_sum3A_9 : vector<1024xf32> to vector<1x1024xf32>
      %add3A = arith.constant 1.000000e+00 : f32
      %add3A_10 = vector.broadcast %add3A : f32 to vector<1x1024xf32>
      %add3A_11 = arith.addf %add3A_10, %broadcast_in_dim3A : vector<1x1024xf32>
      %rsqrt3A = math.rsqrt %add3A_11 : vector<1x1024xf32>
      %broadcast_in_dim3A_12 = vector.shape_cast %rsqrt3A : vector<1x1024xf32> to vector<1x1024xf32>
      %broadcast_in_dim3A_13 = vector.broadcast %broadcast_in_dim3A_12 : vector<1x1024xf32> to vector<128x1024xf32>
      %get3A_14 = arith.constant 0 : index
      %get3A_15 = arith.constant 0 : index
      %get3A_16 = vector.load %arg2[%get3A_14, %get3A_15] : memref<1024x128xf32, #tpu.memory_space<vmem>>, vector<1024x128xf32>
      %get3A_17 = arith.constant 0 : index
      %get3A_18 = arith.constant 0 : index
      %get3A_19 = arith.constant 0 : index
      %get3A_20 = vector.load %arg3[%get3A_17, %get3A_18, %get3A_19] : memref<2x1024x128xf32, #tpu.memory_space<vmem>>, vector<1x1024x128xf32>
      %get3A_21 = vector.shape_cast %get3A_20 : vector<1x1024x128xf32> to vector<1024x128xf32>
      %add3A_22 = arith.addf %get3A_16, %get3A_21 : vector<1024x128xf32>
      %get3A_23 = arith.constant 1 : index
      %get3A_24 = arith.constant 0 : index
      %get3A_25 = arith.constant 0 : index
      %get3A_26 = vector.load %arg3[%get3A_23, %get3A_24, %get3A_25] : memref<2x1024x128xf32, #tpu.memory_space<vmem>>, vector<1x1024x128xf32>
      %get3A_27 = vector.shape_cast %get3A_26 : vector<1x1024x128xf32> to vector<1024x128xf32>
      %add3A_28 = arith.addf %add3A_22, %get3A_27 : vector<1024x128xf32>
      %transpose3A = tpu.transpose %broadcast_in_dim3A_13, [1, 0] : vector<128x1024xf32> -> vector<1024x128xf32>
      %mul3A = arith.mulf %add3A_28, %transpose3A : vector<1024x128xf32>
      %iota3A = tpu.iota {dimensions = array<i32: 0>} : vector<1024x128xi32>
      %mul3A_29 = arith.constant 1024 : i32
      %mul3A_30 = arith.muli %arg1, %mul3A_29 : i32
      %add3A_31 = vector.broadcast %mul3A_30 : i32 to vector<1024x128xi32>
      %add3A_32 = arith.addi %iota3A, %add3A_31 : vector<1024x128xi32>
      %lt3A = arith.constant 10000 : i32
      %lt3A_33 = vector.broadcast %lt3A : i32 to vector<1024x128xi32>
      %lt3A_34 = arith.cmpi slt, %add3A_32, %lt3A_33 : vector<1024x128xi32>
      %jit3A = arith.constant 0.000000e+00 : f32
      %broadcast_in_dim3A_35 = vector.broadcast %jit3A : f32 to vector<1024x128xf32>
      %select_n3A = arith.select %lt3A_34, %mul3A, %broadcast_in_dim3A_35 : vector<1024x128xi1>, vector<1024x128xf32>
      %mul3A_36 = arith.constant 1024 : i32
      %mul3A_37 = arith.muli %arg1, %mul3A_36 : i32
      %swap3A = arith.index_cast %mul3A_37 : i32 to index
      %swap3A_38 = arith.constant 0 : index
      %swap3A_39 = vector.load %arg8[%swap3A, %swap3A_38] : memref<10240x128xf32, #tpu.memory_space<vmem>>, vector<1024x128xf32>
      tpu.vector_store %arg8[%swap3A, %swap3A_38], %select_n3A {strides = array<i32>} : memref<10240x128xf32, #tpu.memory_space<vmem>>, vector<1024x128xf32>,
      %reduce_sum3A_40 = arith.constant dense<0.000000e+00> : vector<128xf32>
      %reduce_sum3A_41 = vector.multi_reduction <add>, %select_n3A, %reduce_sum3A_40 [0] : vector<1024x128xf32> to vector<128xf32>
      %broadcast_in_dim3A_42 = vector.shape_cast %reduce_sum3A_41 : vector<128xf32> to vector<1x128xf32>
      %mul3A_43 = arith.mulf %select_n3A, %select_n3A : vector<1024x128xf32>
      %reduce_sum3A_44 = arith.constant dense<0.000000e+00> : vector<128xf32>
      %reduce_sum3A_45 = vector.multi_reduction <add>, %mul3A_43, %reduce_sum3A_44 [0] : vector<1024x128xf32> to vector<128xf32>
      %broadcast_in_dim3A_46 = vector.shape_cast %reduce_sum3A_45 : vector<128xf32> to vector<1x128xf32>
      %concatenate3A = tpu.concatenate %broadcast_in_dim3A_42, %broadcast_in_dim3A_46 in 0 : vector<1x128xf32>, vector<1x128xf32> -> vector<2x128xf32>
      %eq3A_47 = arith.constant 0 : i32
      %eq3A_48 = arith.cmpi eq, %arg1, %eq3A_47 : i32
      %convert_element_type3A_49 = arith.extui %eq3A_48 : i1 to i32
      %cond3A_50 = arith.constant 0 : i32
      %cond3A_51 = arith.cmpi ne, %convert_element_type3A_49, %cond3A_50 : i32
      scf.if %cond3A_51 {
        %swap3A_56 = arith.constant 0 : index
        %swap3A_57 = arith.constant 0 : index
        %swap3A_58 = vector.load %arg9[%swap3A_56, %swap3A_57] : memref<8x128xf32, #tpu.memory_space<vmem>>, vector<2x128xf32>
        tpu.vector_store %arg9[%swap3A_56, %swap3A_57], %concatenate3A {strides = array<i32>} : memref<8x128xf32, #tpu.memory_space<vmem>>, vector<2x128xf32>,
      } else {
      }
      %gt3A = arith.constant 0 : i32
      %gt3A_52 = arith.cmpi sgt, %arg1, %gt3A : i32
      %convert_element_type3A_53 = arith.extui %gt3A_52 : i1 to i32
      %cond3A_54 = arith.constant 0 : i32
      %cond3A_55 = arith.cmpi ne, %convert_element_type3A_53, %cond3A_54 : i32
      scf.if %cond3A_55 {
        %get3A_56 = arith.constant 0 : index
        %get3A_57 = arith.constant 0 : index
        %get3A_58 = vector.load %arg9[%get3A_56, %get3A_57] : memref<8x128xf32, #tpu.memory_space<vmem>>, vector<2x128xf32>
        %add3A_59 = arith.addf %get3A_58, %concatenate3A : vector<2x128xf32>
        %swap3A_60 = arith.constant 0 : index
        %swap3A_61 = arith.constant 0 : index
        %swap3A_62 = vector.load %arg9[%swap3A_60, %swap3A_61] : memref<8x128xf32, #tpu.memory_space<vmem>>, vector<2x128xf32>
        tpu.vector_store %arg9[%swap3A_60, %swap3A_61], %add3A_59 {strides = array<i32>} : memref<8x128xf32, #tpu.memory_space<vmem>>, vector<2x128xf32>,
      } else {
      }
    } else {
    }
    %eq3A_2 = arith.constant 1 : i32
    %eq3A_3 = arith.cmpi eq, %arg0, %eq3A_2 : i32
    %convert_element_type3A_4 = arith.extui %eq3A_3 : i1 to i32
    %cond3A_5 = arith.constant 0 : i32
    %cond3A_6 = arith.cmpi ne, %convert_element_type3A_4, %cond3A_5 : i32
    scf.if %cond3A_6 {
      %get3A = arith.constant 0 : index
      %get3A_7 = arith.constant 0 : index
      %get3A_8 = vector.load %arg9[%get3A, %get3A_7] : memref<8x128xf32, #tpu.memory_space<vmem>>, vector<2x128xf32>
      %slice3A = vector.extract_strided_slice %get3A_8 {offsets = [0, 0], sizes = [1, 128], strides = [1, 1]} : vector<2x128xf32> to vector<1x128xf32>
      %mul3A = arith.constant 9.99999974E-5 : f32
      %mul3A_9 = vector.broadcast %mul3A : f32 to vector<1x128xf32>
      %mul3A_10 = arith.mulf %slice3A, %mul3A_9 : vector<1x128xf32>
      %slice3A_11 = vector.extract_strided_slice %get3A_8 {offsets = [1, 0], sizes = [1, 128], strides = [1, 1]} : vector<2x128xf32> to vector<1x128xf32>
      %mul3A_12 = arith.constant 9.99999974E-5 : f32
      %mul3A_13 = vector.broadcast %mul3A_12 : f32 to vector<1x128xf32>
      %mul3A_14 = arith.mulf %slice3A_11, %mul3A_13 : vector<1x128xf32>
      %mul3A_15 = arith.mulf %mul3A_10, %mul3A_10 : vector<1x128xf32>
      %sub3A = arith.subf %mul3A_14, %mul3A_15 : vector<1x128xf32>
      %add3A = arith.constant 9.99999974E-6 : f32
      %add3A_16 = vector.broadcast %add3A : f32 to vector<1x128xf32>
      %add3A_17 = arith.addf %sub3A, %add3A_16 : vector<1x128xf32>
      %rsqrt3A = math.rsqrt %add3A_17 : vector<1x128xf32>
      %get3A_18 = arith.constant 0 : index
      %get3A_19 = arith.constant 0 : index
      %get3A_20 = vector.load %arg5[%get3A_18, %get3A_19] : memref<1x128xf32, #tpu.memory_space<vmem>>, vector<1x128xf32>
      %mul3A_21 = arith.mulf %rsqrt3A, %get3A_20 : vector<1x128xf32>
      %get3A_22 = arith.constant 0 : index
      %get3A_23 = arith.constant 0 : index
      %get3A_24 = vector.load %arg6[%get3A_22, %get3A_23] : memref<1x128xf32, #tpu.memory_space<vmem>>, vector<1x128xf32>
      %mul3A_25 = arith.mulf %mul3A_10, %mul3A_21 : vector<1x128xf32>
      %sub3A_26 = arith.subf %get3A_24, %mul3A_25 : vector<1x128xf32>
      %mul3A_27 = arith.constant 1024 : i32
      %mul3A_28 = arith.muli %arg1, %mul3A_27 : i32
      %get3A_29 = arith.index_cast %mul3A_28 : i32 to index
      %get3A_30 = arith.constant 0 : index
      %get3A_31 = vector.load %arg8[%get3A_29, %get3A_30] : memref<10240x128xf32, #tpu.memory_space<vmem>>, vector<1024x128xf32>
      %mul3A_32 = vector.broadcast %mul3A_21 : vector<1x128xf32> to vector<1024x128xf32>
      %mul3A_33 = arith.mulf %get3A_31, %mul3A_32 : vector<1024x128xf32>
      %add3A_34 = vector.broadcast %sub3A_26 : vector<1x128xf32> to vector<1024x128xf32>
      %add3A_35 = arith.addf %mul3A_33, %add3A_34 : vector<1024x128xf32>
      %ge3A = arith.constant 0.000000e+00 : f32
      %ge3A_36 = vector.broadcast %ge3A : f32 to vector<1024x128xf32>
      %ge3A_37 = arith.cmpf oge, %add3A_35, %ge3A_36 : vector<1024x128xf32>
      %mul3A_38 = arith.constant 0.00999999977 : f32
      %mul3A_39 = vector.broadcast %mul3A_38 : f32 to vector<1024x128xf32>
      %mul3A_40 = arith.mulf %mul3A_39, %add3A_35 : vector<1024x128xf32>
      %select_n3A = arith.select %ge3A_37, %add3A_35, %mul3A_40 : vector<1024x128xi1>, vector<1024x128xf32>
      %swap3A = arith.constant 0 : index
      %swap3A_41 = arith.constant 0 : index
      %swap3A_42 = vector.load %arg7[%swap3A, %swap3A_41] : memref<1024x128xf32, #tpu.memory_space<vmem>>, vector<1024x128xf32>
      tpu.vector_store %arg7[%swap3A, %swap3A_41], %select_n3A {strides = array<i32>} : memref<1024x128xf32, #tpu.memory_space<vmem>>, vector<1024x128xf32>,
    } else {
    }
    return
  }
  func.func @transform_0(%arg0: i32, %arg1: i32) -> (i32, i32) {
    %sub3A = arith.constant 1 : i32
    %sub3A_0 = arith.subi %sub3A, %arg0 : i32
    %mul3A = arith.muli %arg1, %sub3A_0 : i32
    %c0_i32 = arith.constant 0 : i32
    %c0_i32_1 = arith.constant 0 : i32
    return %mul3A, %c0_i32 : i32, i32
  }
  func.func @transform_1(%arg0: i32, %arg1: i32) -> (i32, i32, i32) {
    %sub3A = arith.constant 1 : i32
    %sub3A_0 = arith.subi %sub3A, %arg0 : i32
    %mul3A = arith.muli %arg1, %sub3A_0 : i32
    %c0_i32 = arith.constant 0 : i32
    %c0_i32_1 = arith.constant 0 : i32
    %c0_i32_2 = arith.constant 0 : i32
    return %c0_i32, %mul3A, %c0_i32_1 : i32, i32, i32
  }
  func.func @transform_2(%arg0: i32, %arg1: i32) -> (i32, i32) {
    %sub3A = arith.constant 1 : i32
    %sub3A_0 = arith.subi %sub3A, %arg0 : i32
    %mul3A = arith.muli %arg1, %sub3A_0 : i32
    %c0_i32 = arith.constant 0 : i32
    %c0_i32_1 = arith.constant 0 : i32
    return %c0_i32, %mul3A : i32, i32
  }
  func.func @transform_3(%arg0: i32, %arg1: i32) -> (i32, i32) {
    %c0_i32 = arith.constant 0 : i32
    %c0_i32_0 = arith.constant 0 : i32
    %c0_i32_1 = arith.constant 0 : i32
    return %c0_i32, %c0_i32_0 : i32, i32
  }
  func.func @transform_4(%arg0: i32, %arg1: i32) -> (i32, i32) {
    %c0_i32 = arith.constant 0 : i32
    %c0_i32_0 = arith.constant 0 : i32
    %c0_i32_1 = arith.constant 0 : i32
    return %c0_i32, %c0_i32_0 : i32, i32
  }
  func.func @transform_5(%arg0: i32, %arg1: i32) -> (i32, i32) {
    %mul3A = arith.muli %arg1, %arg0 : i32
    %c0_i32 = arith.constant 0 : i32
    %c0_i32_0 = arith.constant 0 : i32
    return %mul3A, %c0_i32 : i32, i32
  }
}

</mosaic_0001>

<sc_bundles>
// kernel: kernel.6.cloned.1.call-start
scs
__scs_entry_jumppad:
0x0: {  	(pc) =	sbr.rel $0x88, $3  }
0x1: {  	(tag) =	ssettag $0x0;
	lr =	simm.s32 $0x1  }
0x2: {  	[smem:$0x3F9C] =	sst lr;
	_ =	strace $0xD0000000  }
0x3: {  	_ = 	snop  }
0x4: {  	_ = 	snop  }
0x5: {  	_ = 	snop  }
0x6: {  	_ = 	snop  }
0x7: {  	_ = 	snop  }
__scs_overlays_trampoline_lowered:
0x8: {  	[smem:$0x3FAB] =	sst s0  }
0x9: {  	[smem:$0x3FAC] =	sst s1  }
0xa: {  	[smem:$0x3FAD] =	sst s2  }
0xb: {  	[smem:$0x3FAE] =	sst s3  }
0xc: {  	[smem:$0x3FAF] =	sst s4  }
0xd: {  	[smem:$0x3FB0] =	sst s5  }
0xe: {  	[smem:$0x3FB1] =	sst s6  }
0xf: {  	[smem:$0x3FB2] =	sst s7  }
0x10: {  	[smem:$0x3FB3] =	sst s8  }
0x11: {  	[smem:$0x3FB4] =	sst s9;
	s0 =	simm.s32 @!p0 $0x0  }
0x12: {  	s1 =	sld [smem:$0x3F9A];
	s0 =	simm.s32 @p0 $0x1  }
0x13: {  	[smem:$0x3FB5] =	sst s0;
	s0 =	simm.s32 @!p1 $0x0  }
0x14: {  	s2 =	sld [smem:$0x3F99];
	s0 =	simm.s32 @p1 $0x1  }
0x15: {  	[smem:$0x3FB6] =	sst s0;
	s0 =	simm.s32 @!p2 $0x0  }
0x16: {  	s3 =	sld [smem:$0x3FDB];
	s0 =	simm.s32 @p2 $0x1  }
0x17: {  	s4 =	simm.s32 $0x1BF5;
	[smem:$0x3FB8] =	sst s0  }
0x18: {  	s0 =	sld [smem:$0x3F9B];
	_ =	swait.ge [sflag:s4], $0x0  }
0x19: {  	s7 =	sld [smem:$0x3F9C]  }
0x1a: {  	s8 =	sadd.s32 $0xFFFFE003, lr  }
0x1b: {  	s9 =	sadd.s32 $0xFFFFFEF7, lr;
	s5 =	simm.s32 $0xFFFFFFFF;
	p2 =	slt.u32 s8, $0xFFFFF086  }
0x1c: {  	p1 =	slt.u32 s9, $0xF7A;
	s5 =	simm.s32 @!p2 $0x0  }
0x1d: {  	s5 =	simm.s32 @p1 $0x1;
	p0 =	seq.s32 s7, s2  }
0x1e: {  	s7 =	smul.u32 @!p0 $0xF7A, s2;
	p2 =	seq.s32 @!p0 s5, $0x0  }
0x1f: {  	s9 =	smul.u32 $0xF7A, s1;
	s8 =	simm.s32 @!p0 $0x1BF5;
	p2 =	por !p2, p0  }
0x20: {  	[sflag:s8] =	ssyncset.s32 @!p0 $0xFFFFF086;
	s6 =	sadd.s32 @!p0 s3, s7;
	s7 =	simm.s32 @!p0 $0x108  }
0x21: {  	s3 =	sadd.s32 s3, s9;
	s6 =	sadd.s32 @!p0 $0x88, s6;
	s7 =	simm.s32 @p2 $0x1082  }
0x22: {  	[simem:s7], [sflag:s8] =	dma.local @!p0 [hbm:s6], $0xF7A  }
0x23: {  	s9 =	sor.u32 $0xD0000000, s2;
	s6 =	simm.s32 $0x108;
	_ =	swait.ge @!p0 [sflag:s8], $0x0  }
0x24: {  	s3 =	sadd.s32 $0x88, s3;
	s6 =	simm.s32 @!p1 $0x1082;
	[sflag:s4] =	ssyncset.s32 $0xFFFFF086  }
0x25: {  	[simem:s6], [sflag:s4] =	dma.local [hbm:s3], $0xF7A  }
0x26: {  	[smem:$0x3F9C] =	sst s1;
	(tag) =	ssettag s2;
	_ =	strace s9  }
0x27: {  	s1 =	sld [smem:$0x3FAC]  }
0x28: {  	s2 =	sld [smem:$0x3FAD]  }
0x29: {  	s4 =	sld [smem:$0x3FAF]  }
0x2a: {  	p0 =	seq.s32 s5, $0x0;
	s5 =	sld [smem:$0x3FB0]  }
0x2b: {  	s6 =	sld [smem:$0x3FB1]  }
0x2c: {  	s7 =	sld [smem:$0x3FB2]  }
0x2d: {  	s3 =	simm.s32 $0x108;
	s8 =	sld [smem:$0x3FB3]  }
0x2e: {  	s3 =	simm.s32 @!p0 $0x1082;
	s9 =	sld [smem:$0x3FB4]  }
0x2f: {  	lr =	sadd.s32 s0, s3;
	s0 =	sld [smem:$0x3FAB]  }
0x30: {  	s3 =	sld [smem:$0x3FAE]  }
0x31: {  	[smem:$0x3FB7] =	sst s10  }
0x32: {  	s10 =	sld [smem:$0x3FB5];
	_ =	sdelay $0x3  }
0x33: {  	p0 =	seq.s32 s10, $0x1;
	s10 =	sld [smem:$0x3FB7];
	_ =	sdelay $0x3  }
0x34: {  	[smem:$0x3FB7] =	sst s10  }
0x35: {  	s10 =	sld [smem:$0x3FB6];
	_ =	sdelay $0x3  }
0x36: {  	p1 =	seq.s32 s10, $0x1;
	s10 =	sld [smem:$0x3FB7];
	_ =	sdelay $0x3  }
0x37: {  	[smem:$0x3FB7] =	sst s10  }
0x38: {  	s10 =	sld [smem:$0x3FB8]  }
0x39: {  	_ = 	snop;
	(pc) =	sbr.ind lr, $3  }
0x3a: {  	_ = 	snop  }
0x3b: {  	_ = 	snop  }
0x3c: {  	p2 =	seq.s32 s10, $0x1;
	s10 =	sld [smem:$0x3FB7]  }
0x3d: {  	_ =	shalt  }
0x3e: {  	_ =	shalt  }
0x3f: {  	_ =	shalt  }
0x40: {  	_ =	shalt  }
0x41: {  	_ =	shalt  }
0x42: {  	_ =	shalt  }
0x43: {  	_ =	shalt  }
0x44: {  	_ =	shalt  }
0x45: {  	_ =	shalt  }
0x46: {  	_ =	shalt  }
0x47: {  	_ =	shalt  }
0x48: {  	_ =	shalt  }
0x49: {  	_ =	shalt  }
0x4a: {  	_ =	shalt  }
0x4b: {  	_ =	shalt  }
0x4c: {  	_ =	shalt  }
0x4d: {  	_ =	shalt  }
0x4e: {  	_ =	shalt  }
0x4f: {  	_ =	shalt  }
0x50: {  	_ =	shalt  }
0x51: {  	_ =	shalt  }
0x52: {  	_ =	shalt  }
0x53: {  	_ =	shalt  }
0x54: {  	_ =	shalt  }
0x55: {  	_ =	shalt  }
0x56: {  	_ =	shalt  }
0x57: {  	_ =	shalt  }
0x58: {  	_ =	shalt  }
0x59: {  	_ =	shalt  }
0x5a: {  	_ =	shalt  }
0x5b: {  	_ =	shalt  }
0x5c: {  	_ =	shalt  }
0x5d: {  	_ =	shalt  }
0x5e: {  	_ =	shalt  }
0x5f: {  	_ =	shalt  }
0x60: {  	_ =	shalt  }
0x61: {  	_ =	shalt  }
0x62: {  	_ =	shalt  }
0x63: {  	_ =	shalt  }
0x64: {  	_ =	shalt  }
0x65: {  	_ =	shalt  }
0x66: {  	_ =	shalt  }
0x67: {  	_ =	shalt  }
0x68: {  	_ =	shalt  }
0x69: {  	_ =	shalt  }
0x6a: {  	_ =	shalt  }
0x6b: {  	_ =	shalt  }
0x6c: {  	_ =	shalt  }
0x6d: {  	_ =	shalt  }
0x6e: {  	_ =	shalt  }
0x6f: {  	_ =	shalt  }
0x70: {  	_ =	shalt  }
0x71: {  	_ =	shalt  }
0x72: {  	_ =	shalt  }
0x73: {  	_ =	shalt  }
0x74: {  	_ =	shalt  }
0x75: {  	_ =	shalt  }
0x76: {  	_ =	shalt  }
0x77: {  	_ =	shalt  }
0x78: {  	_ =	shalt  }
0x79: {  	_ =	shalt  }
0x7a: {  	_ =	shalt  }
0x7b: {  	_ =	shalt  }
0x7c: {  	_ =	shalt  }
0x7d: {  	_ =	shalt  }
0x7e: {  	_ =	shalt  }
0x7f: {  	_ =	shalt  }
0x80: {  	_ =	shalt  }
0x81: {  	_ =	shalt  }
0x82: {  	_ =	shalt  }
0x83: {  	_ =	shalt  }
0x84: {  	_ =	shalt  }
0x85: {  	_ =	shalt  }
0x86: {  	_ =	shalt  }
0x87: {  	_ =	shalt  }
.Lfunc_end0:
.L_simem_size_0:
called_computation_lowered:
.L_overlay_start_0:
0x88: {  	s2 =	sld [smem:$0x3FD9]  }
0x89: {  	s3 =	sld [smem:$0x3FFE];
	_ =	sdelay $0x1  }
0x8a: {  	s1 =	srdreg.scid  }
0x8b: {  	s0 =	sand.u32 $0x1, s1  }
0x8c: {  	s17 =	sshll.u32 s0, $0xA;
	s2 =	sadd.s32 s3, s2  }
0x8d: {  	s2 =	sadd.s32 s2, s17  }
0x8e: {  	[smem:$0x3FC3] =	sst s2  }
0x8f: {  	_ = 	snop  }
0x90: {  	s2 =	sld [smem:$0x3FD0];
	(tm) =	ssettm $0x1  }
0x91: {  	s18 =	sld [smem:$0x3FFB];
	_ =	sdelay $0x3  }
0x92: {  	_ =	strace s18  }
0x93: {  	s3 =	sld [smem:$0x3FFC];
	_ =	sdelay $0x3  }
0x94: {  	_ =	strace s3  }
0x95: {  	s3 =	sld [smem:$0x3FFD];
	_ =	sdelay $0x3  }
0x96: {  	_ =	strace s3  }
0x97: {  	_ =	strace $0x8FFFFFFF  }
0x98: {  	s19 =	sld [smem:$0x3FDB];
	_ =	sdelay $0x1  }
0x99: {  	s4 =	simm.s32 $_scs_section_size  }
0x9a: {  	s5 =	simm.s32 $_size__tile_overlayer_lowered;
	s6 =	simm.s32 $_tile_overlayer_lowered  }
0x9b: {  	s22 =	simm.s32 $0x1BFF;
	s21 =	sshll.u32 s6, $0x1;
	s3 =	sadd.s32 s4, s19  }
0x9c: {  	s7 =	simm.s32 $0x0;
	s20 =	sshll.u32 s5, $0x1;
	s5 =	sadd.s32 s21, s3  }
0x9d: {  	[timem:s7], [sflag:s22] =	dma.local [hbm:s5], s20  }
0x9e: {  	_ =	swait.ge [sflag:s22], s20  }
0x9f: {  	s4 =	ssub.s32 $0x0, s20;
	[sflag:s22] =	ssyncset.done $0x0  }
0xa0: {  	[sflag:s22] =	ssyncadd.s32 s4;
	_ =	sdelay $0x1  }
0xa1: {  	s23 =	simm.s32 $0x1B8B  }
0xa2: {  	_ =	swait.ge [sflag:s23], $0x1  }
0xa3: {  	[sflag:s23] =	ssyncset.done $0x0  }
0xa4: {  	s25 =	simm.s32 $0x1B8E;
	s24 =	sld [smem:$0x3FFE];
	[sflag:s23] =	ssyncadd.s32 $0xFFFFFFFF  }
0xa5: {  	s26 =	simm.s32 $execute0_lowered;
	[smem:$0x3FD2] =	sst s25  }
0xa6: {  	s5 =	sshll.u32 s26, $0x1;
	_ =	strace $0x80000046;
	[dreg:$0x1] =	wrdreg $0xFFFFFFFF  }
0xa7: {  	s28 =	simm.s32 $_size_execute0_lowered;
	s3 =	sadd.s32 s3, s5;
	[dreg:$0x0] =	wrdreg $0x0  }
0xa8: {  	s5 =	sshll.u32 s28, $0x1;
	[dreg:$0x2] =	wrdreg s3  }
0xa9: {  	[dreg:$0x3] =	wrdreg s5  }
0xaa: {  	[dreg:$0x4] =	wrdreg $0xC0  }
0xab: {  	_ =	task [dreg:s7], $0x5FFFF  }
0xac: {  	[dreg:$0x1] =	wrdreg $0xFFFFFFFF  }
0xad: {  	[dreg:$0x0] =	wrdreg $0x60  }
0xae: {  	[dreg:$0x2] =	wrdreg s24  }
0xaf: {  	[dreg:$0x3] =	wrdreg s2  }
0xb0: {  	[dreg:$0x4] =	wrdreg $0x9  }
0xb1: {  	_ =	task.clear_ibuf [dreg:s7], $0x5FFFF;
	_ =	strace $0x90000046  }
0xb2: {  	s29 =	simm.s32 $0x9;
	_ =	strace $0x80000048  }
0xb3: {  	_ =	swait.ge [sflag:s29], $0x1  }
0xb4: {  	[sflag:s29] =	ssyncadd.s32 $0xFFFFFFFF  }
0xb5: {  	_ =	strace $0x90000048  }
0xb6: {  	_ =	sfence  }
0xb7: {  	s30 =	sld [smem:$0x0];
	_ =	sdelay $0x2  }
0xb8: {  	s31 =	sshll.u32 s1, $0xD;
	s1 =	sshrl.u32 s1, $0x2  }
0xb9: {  	s3 =	sand.u32 $0x4000, s31;
	s1 =	sadd.s32 s1, s30  }
0xba: {  	s0 =	sor.u32 s3, s0;
	s1 =	sshll.u32 s1, $0x11  }
0xbb: {  	s0 =	sor.u32 s1, s0  }
0xbc: {  	s0 =	sadd.s32 $0x8F2B, s0  }
0xbd: {  	[sflag:s0] =	ssyncadd.remote.s32 $0x1  }
0xbe: {  	_ =	sfence.sel $0xFFFF  }
0xbf: {  	[dreg:$0x0] =	wrdreg $0xFFFFFFFF;
	(pc) =	sbr.abs _section_cstart, $3  }
0xc0: {  	[dreg:$0x1] =	wrdreg $0xFFFFFFFF  }
0xc1: {  	_ =	task.clear_ibuf [dreg:s7], $0x2FFFF;
	_ =	strace $0x9FFFFFFF  }
0xc2: {  	(tm) =	ssettm $0x7FFFFFFF  }
0xc3: {  	_ =	shalt  }
tec
execute0_lowered:
.L_overlay_start_1:
0x0: {  	(tag) =	ssettag $0x1  }
0x1: {  	s0 =	srdreg.scid;
	s3 =	rddreg [dreg:$0x0]  }
0x2: {  	s5 =	rddreg [dreg:$0x1];
	s1 =	stileid.u32  }
0x3: {  	s9 =	simm.s32 $0x80;
	s10 =	simm.s32 $0x400;
	s4 =	sand.u32 $0x1, s0  }
0x4: {  	s11 =	simm.s32 $0x0;
	s8 =	sshll.u32 s1, $0x7;
	s2 =	sshll.u32 s4, $0x4  }
0x5: {  	s0 =	rddreg [dreg:$0x2];
	s8 =	sand.u32 $0x380, s8;
	s6 =	sor.u32 s1, s2  }
0x6: {  	s2 =	simm.s32 $0x0;
	s7 =	smul.u32 $0x4E2, s6;
	s6 =	sshrl.u32 s6, $0x3  }
0x7: {  	s4 =	ssub.s32 $0x2, s4;
	[smem:$0x7FF] =	sst s2;
	s6 =	smul.u32 $0x14000, s6  }
0x8: {  	s31 =	sshrl.u32 s4, $0x1;
	_ =	strace $0x80000047;
	s7 =	sadd.s32 s7, s3  }
0x9: {  	s3 =	sadd.s32 $0xBC00, s3;
	s6 =	sor.u32 s8, s6;
	s8 =	ssub.s32 s4, s31  }
0xa: {  	s4 =	sadd.s32 $0x1E00, s7;
	s7 =	simm.s32 $0x2780;
	s6 =	sshrl.u32 s6, $0x3  }
0xb: {  	v0 =	vimm.f32 $1.000000000e+00;
	s5 =	sadd.s32 s5, s6;
	s6 =	smax.u32 s8, $0x1;
	s8 =	simm.s32 $0x1  }
.LBB2_1:
0xc: {  	[tilespmem:s7], [sflag:$0x1] =	stream.linear.gather [hbm4b:s3+s2], $0x2800, $0x38;
	[tilespmem:$0x4F80] =	vst v63  }
0xd: {  	_ =	swait.ge [sflag:s8], $0x2800  }
0xe: {  	[sflag:s8] =	ssyncset.done $0x0  }
0xf: {  	[sflag:s8] =	ssyncadd.s32 $0xFFFFD800  }
0x10: {  	[tilespmem:s2], [sflag:$0x1] =	stream.linear.gather [hbm4b:s4+s2], $0x2710, $0x38;
	[tilespmem:$0x4F80] =	vst v63  }
0x11: {  	_ =	swait.ge [sflag:s8], $0x2710  }
0x12: {  	[sflag:s8] =	ssyncset.done $0x0  }
0x13: {  	s13 =	simm.s32 $0x0;
	s12 =	simm.s32 $0x40;
	[sflag:s8] =	ssyncadd.s32 $0xFFFFD8F0  }
.LBB2_2:
0x14: {  	p0 =	sne.s32 s12, $0x9C00;
	v1 =	vld [tilespmem:s13+$0x0];
	_ =	sdelay $0x3  }
.Ltmp0:
0x15: {  	(pc) =	sbr.rel @p0 .LBB2_2-.Ltmp0, $2  }
0x16: {  	_ =	sdelay $0x2  }
0x17: {  	s13 =	sshra.s32 s12, $0x2;
	s12 =	sadd.s32 $0x40, s12;
	[tilespmem:v1+s7+$0x0] =	vst.idx.add.f32.msk $0xffff, v0  }
0x18: {  	v1 =	vld [tilespmem:s13+$0x0];
	_ =	sdelay $0x5  }
0x19: {  	s11 =	sadd.s32 $0x1, s11  }
0x1a: {  	p0 =	sne.s32 s11, s6  }
.Ltmp1:
0x1b: {  	[tilespmem:v1+s7+$0x0] =	vst.idx.add.f32.msk $0xffff, v0;
	(pc) =	sbr.rel @p0 .LBB2_1-.Ltmp1, $4  }
0x1c: {  	[hbm4b:s5+s9] =	stream.strided.scatter [tilespmem:s7], [sflag:$0x1], $0x2800, s10, s9, $0x38;
	[tilespmem:$0x4F80] =	vst v63  }
0x1d: {  	_ =	swait.ge [sflag:s8], $0x2800  }
0x1e: {  	[sflag:s8] =	ssyncset.done $0x0  }
0x1f: {  	[sflag:s8] =	ssyncadd.s32 $0xFFFFD800  }
0x20: {  	_ =	sfence.sel $0x180000  }
0x21: {  	[bflag:$0x0] =	sbarrier.arrive $0xFFFF  }
0x22: {  	p0 =	sne.s32 s1, $0x0;
	_ =	strace $0x90000047  }
0x23: {  	s0 =	sadd.s32 @!p0 $0x100000, s0;
	[bflag:$0x2] =	sbarrier.arrive $0xFFFF  }
0x24: {  	[sflag:s0] =	ssyncadd.tile.s32 @!p0 $0x1;
	_ =	shalt  }
.Lfunc_end2:
_tile_overlayer_lowered:
.L_overlay_start_2:
0x25: {  	(tag) =	ssettag $0x2  }
0x26: {  	s0 =	rddreg [dreg:$0x0];
	s2 =	stileid.u32  }
0x27: {  	s1 =	rddreg [dreg:$0x1];
	p0 =	sne.s32 s2, $0x0  }
0x28: {  	s3 =	rddreg [dreg:$0x2];
	[bflag:$0x3] =	sbarrier.arrive $0xFFFF;
	s2 =	simm.s32 @!p0 $0x1C01  }
0x29: {  	[timem:s3], [sflag:s2] =	dma.local @!p0 [hbm:s0], s1  }
0x2a: {  	s0 =	simm.s32 @!p0 $0x1  }
0x2b: {  	_ =	swait.ge @!p0 [sflag:s0], s1  }
0x2c: {  	s1 =	ssub.s32 @!p0 $0x0, s1;
	[sflag:s0] =	ssyncset.done @!p0 $0x0  }
0x2d: {  	[sflag:s0] =	ssyncadd.s32 @!p0 s1  }
0x2e: {  	[bflag:$0x3] =	sbarrier.arrive $0xFFFF  }
0x2f: {  	_ =	shalt  }

// kernel: kernel.9.cloned.1.call-start
scs
__scs_entry_jumppad:
0x0: {  	(pc) =	sbr.rel $0x88, $3  }
0x1: {  	(tag) =	ssettag $0x0;
	lr =	simm.s32 $0x1  }
0x2: {  	[smem:$0x3F9C] =	sst lr;
	_ =	strace $0xD0000000  }
0x3: {  	_ = 	snop  }
0x4: {  	_ = 	snop  }
0x5: {  	_ = 	snop  }
0x6: {  	_ = 	snop  }
0x7: {  	_ = 	snop  }
__scs_overlays_trampoline_lowered:
0x8: {  	[smem:$0x3FAB] =	sst s0  }
0x9: {  	[smem:$0x3FAC] =	sst s1  }
0xa: {  	[smem:$0x3FAD] =	sst s2  }
0xb: {  	[smem:$0x3FAE] =	sst s3  }
0xc: {  	[smem:$0x3FAF] =	sst s4  }
0xd: {  	[smem:$0x3FB0] =	sst s5  }
0xe: {  	[smem:$0x3FB1] =	sst s6  }
0xf: {  	[smem:$0x3FB2] =	sst s7  }
0x10: {  	[smem:$0x3FB3] =	sst s8  }
0x11: {  	[smem:$0x3FB4] =	sst s9;
	s0 =	simm.s32 @!p0 $0x0  }
0x12: {  	s1 =	sld [smem:$0x3F9A];
	s0 =	simm.s32 @p0 $0x1  }
0x13: {  	[smem:$0x3FB5] =	sst s0;
	s0 =	simm.s32 @!p1 $0x0  }
0x14: {  	s2 =	sld [smem:$0x3F99];
	s0 =	simm.s32 @p1 $0x1  }
0x15: {  	[smem:$0x3FB6] =	sst s0;
	s0 =	simm.s32 @!p2 $0x0  }
0x16: {  	s3 =	sld [smem:$0x3FDB];
	s0 =	simm.s32 @p2 $0x1  }
0x17: {  	s4 =	simm.s32 $0x1BF5;
	[smem:$0x3FB8] =	sst s0  }
0x18: {  	s0 =	sld [smem:$0x3F9B];
	_ =	swait.ge [sflag:s4], $0x0  }
0x19: {  	s7 =	sld [smem:$0x3F9C]  }
0x1a: {  	s8 =	sadd.s32 $0xFFFFE003, lr  }
0x1b: {  	s9 =	sadd.s32 $0xFFFFFEF7, lr;
	s5 =	simm.s32 $0xFFFFFFFF;
	p2 =	slt.u32 s8, $0xFFFFF086  }
0x1c: {  	p1 =	slt.u32 s9, $0xF7A;
	s5 =	simm.s32 @!p2 $0x0  }
0x1d: {  	s5 =	simm.s32 @p1 $0x1;
	p0 =	seq.s32 s7, s2  }
0x1e: {  	s7 =	smul.u32 @!p0 $0xF7A, s2;
	p2 =	seq.s32 @!p0 s5, $0x0  }
0x1f: {  	s9 =	smul.u32 $0xF7A, s1;
	s8 =	simm.s32 @!p0 $0x1BF5;
	p2 =	por !p2, p0  }
0x20: {  	[sflag:s8] =	ssyncset.s32 @!p0 $0xFFFFF086;
	s6 =	sadd.s32 @!p0 s3, s7;
	s7 =	simm.s32 @!p0 $0x108  }
0x21: {  	s3 =	sadd.s32 s3, s9;
	s6 =	sadd.s32 @!p0 $0x88, s6;
	s7 =	simm.s32 @p2 $0x1082  }
0x22: {  	[simem:s7], [sflag:s8] =	dma.local @!p0 [hbm:s6], $0xF7A  }
0x23: {  	s9 =	sor.u32 $0xD0000000, s2;
	s6 =	simm.s32 $0x108;
	_ =	swait.ge @!p0 [sflag:s8], $0x0  }
0x24: {  	s3 =	sadd.s32 $0x88, s3;
	s6 =	simm.s32 @!p1 $0x1082;
	[sflag:s4] =	ssyncset.s32 $0xFFFFF086  }
0x25: {  	[simem:s6], [sflag:s4] =	dma.local [hbm:s3], $0xF7A  }
0x26: {  	[smem:$0x3F9C] =	sst s1;
	(tag) =	ssettag s2;
	_ =	strace s9  }
0x27: {  	s1 =	sld [smem:$0x3FAC]  }
0x28: {  	s2 =	sld [smem:$0x3FAD]  }
0x29: {  	s4 =	sld [smem:$0x3FAF]  }
0x2a: {  	p0 =	seq.s32 s5, $0x0;
	s5 =	sld [smem:$0x3FB0]  }
0x2b: {  	s6 =	sld [smem:$0x3FB1]  }
0x2c: {  	s7 =	sld [smem:$0x3FB2]  }
0x2d: {  	s3 =	simm.s32 $0x108;
	s8 =	sld [smem:$0x3FB3]  }
0x2e: {  	s3 =	simm.s32 @!p0 $0x1082;
	s9 =	sld [smem:$0x3FB4]  }
0x2f: {  	lr =	sadd.s32 s0, s3;
	s0 =	sld [smem:$0x3FAB]  }
0x30: {  	s3 =	sld [smem:$0x3FAE]  }
0x31: {  	[smem:$0x3FB7] =	sst s10  }
0x32: {  	s10 =	sld [smem:$0x3FB5];
	_ =	sdelay $0x3  }
0x33: {  	p0 =	seq.s32 s10, $0x1;
	s10 =	sld [smem:$0x3FB7];
	_ =	sdelay $0x3  }
0x34: {  	[smem:$0x3FB7] =	sst s10  }
0x35: {  	s10 =	sld [smem:$0x3FB6];
	_ =	sdelay $0x3  }
0x36: {  	p1 =	seq.s32 s10, $0x1;
	s10 =	sld [smem:$0x3FB7];
	_ =	sdelay $0x3  }
0x37: {  	[smem:$0x3FB7] =	sst s10  }
0x38: {  	s10 =	sld [smem:$0x3FB8]  }
0x39: {  	_ = 	snop;
	(pc) =	sbr.ind lr, $3  }
0x3a: {  	_ = 	snop  }
0x3b: {  	_ = 	snop  }
0x3c: {  	p2 =	seq.s32 s10, $0x1;
	s10 =	sld [smem:$0x3FB7]  }
0x3d: {  	_ =	shalt  }
0x3e: {  	_ =	shalt  }
0x3f: {  	_ =	shalt  }
0x40: {  	_ =	shalt  }
0x41: {  	_ =	shalt  }
0x42: {  	_ =	shalt  }
0x43: {  	_ =	shalt  }
0x44: {  	_ =	shalt  }
0x45: {  	_ =	shalt  }
0x46: {  	_ =	shalt  }
0x47: {  	_ =	shalt  }
0x48: {  	_ =	shalt  }
0x49: {  	_ =	shalt  }
0x4a: {  	_ =	shalt  }
0x4b: {  	_ =	shalt  }
0x4c: {  	_ =	shalt  }
0x4d: {  	_ =	shalt  }
0x4e: {  	_ =	shalt  }
0x4f: {  	_ =	shalt  }
0x50: {  	_ =	shalt  }
0x51: {  	_ =	shalt  }
0x52: {  	_ =	shalt  }
0x53: {  	_ =	shalt  }
0x54: {  	_ =	shalt  }
0x55: {  	_ =	shalt  }
0x56: {  	_ =	shalt  }
0x57: {  	_ =	shalt  }
0x58: {  	_ =	shalt  }
0x59: {  	_ =	shalt  }
0x5a: {  	_ =	shalt  }
0x5b: {  	_ =	shalt  }
0x5c: {  	_ =	shalt  }
0x5d: {  	_ =	shalt  }
0x5e: {  	_ =	shalt  }
0x5f: {  	_ =	shalt  }
0x60: {  	_ =	shalt  }
0x61: {  	_ =	shalt  }
0x62: {  	_ =	shalt  }
0x63: {  	_ =	shalt  }
0x64: {  	_ =	shalt  }
0x65: {  	_ =	shalt  }
0x66: {  	_ =	shalt  }
0x67: {  	_ =	shalt  }
0x68: {  	_ =	shalt  }
0x69: {  	_ =	shalt  }
0x6a: {  	_ =	shalt  }
0x6b: {  	_ =	shalt  }
0x6c: {  	_ =	shalt  }
0x6d: {  	_ =	shalt  }
0x6e: {  	_ =	shalt  }
0x6f: {  	_ =	shalt  }
0x70: {  	_ =	shalt  }
0x71: {  	_ =	shalt  }
0x72: {  	_ =	shalt  }
0x73: {  	_ =	shalt  }
0x74: {  	_ =	shalt  }
0x75: {  	_ =	shalt  }
0x76: {  	_ =	shalt  }
0x77: {  	_ =	shalt  }
0x78: {  	_ =	shalt  }
0x79: {  	_ =	shalt  }
0x7a: {  	_ =	shalt  }
0x7b: {  	_ =	shalt  }
0x7c: {  	_ =	shalt  }
0x7d: {  	_ =	shalt  }
0x7e: {  	_ =	shalt  }
0x7f: {  	_ =	shalt  }
0x80: {  	_ =	shalt  }
0x81: {  	_ =	shalt  }
0x82: {  	_ =	shalt  }
0x83: {  	_ =	shalt  }
0x84: {  	_ =	shalt  }
0x85: {  	_ =	shalt  }
0x86: {  	_ =	shalt  }
0x87: {  	_ =	shalt  }
.Lfunc_end0:
.L_simem_size_0:
called_computation.1_lowered:
.L_overlay_start_0:
0x88: {  	s2 =	sld [smem:$0x3FD9]  }
0x89: {  	s3 =	sld [smem:$0x3FFE];
	_ =	sdelay $0x1  }
0x8a: {  	s1 =	srdreg.scid  }
0x8b: {  	s0 =	sand.u32 $0x1, s1  }
0x8c: {  	s17 =	sshll.u32 s0, $0xA;
	s2 =	sadd.s32 s3, s2  }
0x8d: {  	s2 =	sadd.s32 s2, s17  }
0x8e: {  	[smem:$0x3FC3] =	sst s2  }
0x8f: {  	_ = 	snop  }
0x90: {  	s2 =	sld [smem:$0x3FD0];
	(tm) =	ssettm $0x1  }
0x91: {  	s18 =	sld [smem:$0x3FFB];
	_ =	sdelay $0x3  }
0x92: {  	_ =	strace s18  }
0x93: {  	s3 =	sld [smem:$0x3FFC];
	_ =	sdelay $0x3  }
0x94: {  	_ =	strace s3  }
0x95: {  	s3 =	sld [smem:$0x3FFD];
	_ =	sdelay $0x3  }
0x96: {  	_ =	strace s3  }
0x97: {  	_ =	strace $0x8FFFFFFF  }
0x98: {  	s19 =	sld [smem:$0x3FDB];
	_ =	sdelay $0x1  }
0x99: {  	s4 =	simm.s32 $_scs_section_size  }
0x9a: {  	s5 =	simm.s32 $_size__tile_overlayer_lowered;
	s6 =	simm.s32 $_tile_overlayer_lowered  }
0x9b: {  	s22 =	simm.s32 $0x1BFF;
	s21 =	sshll.u32 s6, $0x1;
	s3 =	sadd.s32 s4, s19  }
0x9c: {  	s7 =	simm.s32 $0x0;
	s20 =	sshll.u32 s5, $0x1;
	s5 =	sadd.s32 s21, s3  }
0x9d: {  	[timem:s7], [sflag:s22] =	dma.local [hbm:s5], s20  }
0x9e: {  	_ =	swait.ge [sflag:s22], s20  }
0x9f: {  	s4 =	ssub.s32 $0x0, s20;
	[sflag:s22] =	ssyncset.done $0x0  }
0xa0: {  	[sflag:s22] =	ssyncadd.s32 s4;
	_ =	sdelay $0x1  }
0xa1: {  	s23 =	simm.s32 $0x1B8B  }
0xa2: {  	_ =	swait.ge [sflag:s23], $0x1  }
0xa3: {  	[sflag:s23] =	ssyncset.done $0x0  }
0xa4: {  	s25 =	simm.s32 $0x1B8E;
	s24 =	sld [smem:$0x3FFE];
	[sflag:s23] =	ssyncadd.s32 $0xFFFFFFFF  }
0xa5: {  	s26 =	simm.s32 $execute0_lowered;
	[smem:$0x3FD2] =	sst s25  }
0xa6: {  	s5 =	sshll.u32 s26, $0x1;
	_ =	strace $0x80000049;
	[dreg:$0x1] =	wrdreg $0xFFFFFFFF  }
0xa7: {  	s28 =	simm.s32 $_size_execute0_lowered;
	s3 =	sadd.s32 s3, s5;
	[dreg:$0x0] =	wrdreg $0x0  }
0xa8: {  	s5 =	sshll.u32 s28, $0x1;
	[dreg:$0x2] =	wrdreg s3  }
0xa9: {  	[dreg:$0x3] =	wrdreg s5  }
0xaa: {  	[dreg:$0x4] =	wrdreg $0xC0  }
0xab: {  	_ =	task [dreg:s7], $0x5FFFF  }
0xac: {  	[dreg:$0x1] =	wrdreg $0xFFFFFFFF  }
0xad: {  	[dreg:$0x0] =	wrdreg $0x60  }
0xae: {  	[dreg:$0x2] =	wrdreg s2  }
0xaf: {  	[dreg:$0x3] =	wrdreg s24  }
0xb0: {  	[dreg:$0x4] =	wrdreg $0x90000  }
0xb1: {  	[dreg:$0x5] =	wrdreg $0x9  }
0xb2: {  	_ =	task.clear_ibuf [dreg:s7], $0x6FFFF;
	_ =	strace $0x90000049  }
0xb3: {  	s29 =	simm.s32 $0x9;
	_ =	strace $0x8000004B  }
0xb4: {  	_ =	swait.ge [sflag:s29], $0x1  }
0xb5: {  	[sflag:s29] =	ssyncadd.s32 $0xFFFFFFFF  }
0xb6: {  	_ =	strace $0x9000004B  }
0xb7: {  	_ =	sfence  }
0xb8: {  	s30 =	sld [smem:$0x0];
	_ =	sdelay $0x2  }
0xb9: {  	s31 =	sshll.u32 s1, $0xD;
	s1 =	sshrl.u32 s1, $0x2  }
0xba: {  	s3 =	sand.u32 $0x4000, s31;
	s1 =	sadd.s32 s1, s30  }
0xbb: {  	s0 =	sor.u32 s3, s0;
	s1 =	sshll.u32 s1, $0x11  }
0xbc: {  	s0 =	sor.u32 s1, s0  }
0xbd: {  	s0 =	sadd.s32 $0x8F2B, s0  }
0xbe: {  	[sflag:s0] =	ssyncadd.remote.s32 $0x1  }
0xbf: {  	_ =	sfence.sel $0xFFFF  }
0xc0: {  	[dreg:$0x0] =	wrdreg $0xFFFFFFFF;
	(pc) =	sbr.abs _section_cstart, $3  }
0xc1: {  	[dreg:$0x1] =	wrdreg $0xFFFFFFFF  }
0xc2: {  	_ =	task.clear_ibuf [dreg:s7], $0x2FFFF;
	_ =	strace $0x9FFFFFFF  }
0xc3: {  	(tm) =	ssettm $0x7FFFFFFF  }
tec
execute0_lowered:
.L_overlay_start_1:
0x0: {  	(tag) =	ssettag $0x1  }
0x1: {  	s1 =	rddreg [dreg:$0x0]  }
0x2: {  	s0 =	rddreg [dreg:$0x1]  }
0x3: {  	s2 =	rddreg [dreg:$0x2]  }
0x4: {  	s3 =	srdreg.scid;
	s4 =	simm.s32 $0x0;
	s11 =	stileid.u32  }
0x5: {  	s20 =	simm.s32 $0x1;
	s21 =	simm.s32 $0x2;
	s28 =	simm.s32 $0x4  }
0x6: {  	s31 =	simm.s32 $0x0;
	s3 =	sand.u32 $0x1, s3;
	[smem:$0x7FF] =	sst s4  }
0x7: {  	s8 =	smul.u32 $0x14000, s11;
	s5 =	sadd.s32 $0x16200, s0;
	s6 =	sadd.s32 $0xC200, s0  }
0x8: {  	s22 =	sadd.s32 $0x1E00, s0;
	s10 =	smul.u32 $0x50000, s11;
	s25 =	sshll.u32 s11, $0x6  }
0x9: {  	s7 =	smul.u32 $0x140000, s3;
	_ =	strace $0x8000004A;
	[dreg:$0x5] =	wrdreg s22  }
0xa: {  	s9 =	sshll.u32 s3, $0x4;
	s3 =	ssub.s32 $0x2, s3;
	[dreg:$0x6] =	wrdreg s25  }
0xb: {  	s22 =	simm.s32 $0x40;
	s9 =	sor.u32 s11, s9;
	s23 =	sshrl.u32 s3, $0x1  }
0xc: {  	s24 =	sshrl.u32 s10, $0x2;
	s8 =	sadd.s32 s8, s7;
	s14 =	smul.u32 $0x2800, s9  }
0xd: {  	s3 =	ssub.s32 s3, s23;
	s16 =	sadd.s32 s24, s2;
	s7 =	sor.u32 $0x1C01, s25  }
0xe: {  	s8 =	sshrl.u32 s8, $0x3;
	[dreg:$0x7] =	wrdreg s7;
	s15 =	smax.u32 s3, $0x1  }
0xf: {  	s16 =	sshrl.u32 s16, $0x3;
	s12 =	sshrl.u32 s14, $0x3;
	s14 =	sadd.s32 $0x800, s14  }
0x10: {  	s0 =	sadd.s32 s8, s0;
	s26 =	sadd.s32 s5, s12;
	[dreg:$0x4] =	wrdreg s14  }
0x11: {  	s29 =	sadd.s32 s6, s12;
	s13 =	sor.u32 $0x80, s12;
	[dreg:$0x8] =	wrdreg s26  }
0x12: {  	s14 =	sadd.s32 $0x20200, s0;
	[dreg:$0x9] =	wrdreg s29;
	s30 =	sadd.s32 s5, s13  }
0x13: {  	s13 =	sadd.s32 s6, s13;
	s26 =	simm.s32 $0x7D;
	[dreg:$0xa] =	wrdreg s30  }
.LBB2_1:
0x14: {  	s0 =	rddreg [dreg:$0x5]  }
0x15: {  	s3 =	rddreg [dreg:$0x7]  }
0x16: {  	[spmem:s16], [sflag:s3] =	dma.local [hbm:s0], $0x2800  }
0x17: {  	s0 =	rddreg [dreg:$0x8]  }
0x18: {  	[tilespmem:s4], [sflag:$0x2] =	stream.linear.gather [hbm4b:s0+s4], $0x400, $0x38;
	[tilespmem:$0x1D000] =	vst v63  }
0x19: {  	s11 =	simm.s32 $0x800;
	s10 =	rddreg [dreg:$0x9]  }
0x1a: {  	[tilespmem:s11], [sflag:$0x2] =	stream.linear.gather [hbm4b:s10+s4], $0x400, $0x38;
	[tilespmem:$0x1D000] =	vst v63  }
0x1b: {  	s17 =	simm.s32 $0x400;
	s12 =	rddreg [dreg:$0xa]  }
0x1c: {  	[tilespmem:s17], [sflag:$0x3] =	stream.linear.gather [hbm4b:s12+s4], $0x400, $0x38;
	[tilespmem:$0x1D000] =	vst v63  }
0x1d: {  	s18 =	simm.s32 $0xC00  }
0x1e: {  	[tilespmem:s18], [sflag:$0x3] =	stream.linear.gather [hbm4b:s13+s4], $0x400, $0x38;
	[tilespmem:$0x1D000] =	vst v63  }
0x1f: {  	_ =	swait.ge [sflag:s20], $0x2800  }
0x20: {  	[sflag:s20] =	ssyncset.done $0x0  }
0x21: {  	[sflag:s20] =	ssyncadd.s32 $0xFFFFD800  }
0x22: {  	_ =	swait.ge [sflag:s21], $0x400  }
0x23: {  	[sflag:s21] =	ssyncset.done $0x0  }
0x24: {  	[sflag:s21] =	ssyncadd.s32 $0xFFFFFC00  }
0x25: {  	_ =	swait.ge [sflag:s21], $0x400  }
0x26: {  	[sflag:s21] =	ssyncset.done $0x0  }
0x27: {  	[sflag:s21] =	ssyncadd.s32 $0xFFFFFC00  }
0x28: {  	s19 =	simm.s32 $0x1000;
	[bflag:$0x0] =	sbarrier.arrive $0xFFFF  }
0x29: {  	[tilespmem:s19], [sflag:$0x1] =	stream.indirect.gather [hbm4b:s1+s22], $0x80, s4, s22, $0xb8;
	[tilespmem:$0x1D000] =	vst v63  }
0x2a: {  	s23 =	simm.s32 $0x3D;
	s24 =	simm.s32 $0x3000  }
0x2b: {  	[tilespmem:s24], [sflag:$0x2] =	stream.indirect.gather [hbm4b:s1+s23], $0x80, s22, s23, $0xb8;
	[tilespmem:$0x1D000] =	vst v63  }
0x2c: {  	_ =	swait.ge [sflag:s20], $0x2000  }
0x2d: {  	[sflag:s20] =	ssyncset.done $0x0  }
0x2e: {  	[sflag:s20] =	ssyncadd.s32 $0xFFFFE000  }
0x2f: {  	s0 =	sand.u32 $0x7, s4;
	_ =	swait.ge [sflag:s21], $0x1E80  }
0x30: {  	p0 =	seq.s32 s0, $0x7;
	[sflag:s21] =	ssyncset.done $0x0  }
0x31: {  	s3 =	simm.s32 @p0 $0x3;
	[sflag:s21] =	ssyncadd.s32 $0xFFFFE180  }
0x32: {  	s17 =	simm.s32 $0x0;
	_ =	swait.ge @p0 [sflag:s3], $0x400  }
0x33: {  	s18 =	sxor.u32 @p0 $0xFFFFFFFF, s17;
	[sflag:s3] =	ssyncset.done @p0 $0x0  }
0x34: {  	s18 =	sshll.u32 @p0 s18, $0xA;
	[sflag:s3] =	ssyncadd.s32 @p0 $0xFFFFFC00  }
0x35: {  	s17 =	sand.u32 $0x1, s17;
	s18 =	sand.u32 @p0 $0x400, s18;
	_ =	swait.ge @p0 [sflag:s3], $0x400  }
0x36: {  	s19 =	sxor.u32 @!p0 $0xFFFFFFFF, s4;
	s23 =	simm.s32 @p0 $0x3000;
	[sflag:s3] =	ssyncset.done @p0 $0x0  }
0x37: {  	s24 =	simm.s32 @p0 $0x40;
	[sflag:s3] =	ssyncadd.s32 @p0 $0xFFFFFC00;
	s3 =	simm.s32 @p0 $0x1000  }
0x38: {  	[tilespmem:s3], [sflag:$0x1] =	stream.indirect.gather @p0 [hbm4b:s1+s24], $0x80, s18, s24, $0xb8;
	[tilespmem:$0x1D000] =	vst v63  }
0x39: {  	s3 =	sand.u32 @!p0 $0x10000, s19;
	s18 =	sor.u32 @p0 $0x40, s18;
	s19 =	simm.s32 @p0 $0x3D  }
0x3a: {  	[tilespmem:s23], [sflag:$0x2] =	stream.indirect.gather @p0 [hbm4b:s1+s19], $0x80, s18, s19, $0xb8;
	[tilespmem:$0x1D000] =	vst v63  }
0x3b: {  	s25 =	sand.u32 $0x10000, s4;
	s18 =	sshll.u32 @!p0 s0, $0x7;
	s19 =	sshll.u32 @!p0 s17, $0xA  }
0x3c: {  	s29 =	sshrl.u32 s25, $0x2;
	s3 =	sshrl.u32 @!p0 s3, $0x2;
	s18 =	sor.u32 @!p0 s18, s19  }
0x3d: {  	s23 =	simm.s32 @!p0 $0x40;
	s24 =	sor.u32 @!p0 $0x1000, s3;
	s19 =	sadd.s32 @!p0 $0x80, s18  }
0x3e: {  	[tilespmem:s24], [sflag:$0x1] =	stream.indirect.gather @!p0 [hbm4b:s1+s23], $0x80, s19, s23, $0xb8;
	[tilespmem:$0x1D000] =	vst v63  }
0x3f: {  	s3 =	sor.u32 @!p0 $0x3000, s3;
	s0 =	sshll.u32 s0, $0x7;
	s19 =	sshll.u32 s17, $0xA  }
0x40: {  	s18 =	sadd.s32 @!p0 $0xC0, s18;
	s24 =	simm.s32 @!p0 $0x3D;
	s23 =	sor.u32 $0x800, s19  }
0x41: {  	[tilespmem:s3], [sflag:$0x2] =	stream.indirect.gather @!p0 [hbm4b:s1+s24], $0x80, s18, s24, $0xb8;
	[tilespmem:$0x1D000] =	vst v63  }
0x42: {  	s3 =	sor.u32 $0x1000, s29;
	s0 =	sor.u32 s0, s23  }
0x43: {  	[spmem:s2] =	stream.indirect.scatter.add.f32 [tilespmem:s3], [sflag:$0x4], $0x80, s0, s26, $0xb8;
	[tilespmem:$0x1D000] =	vst v63  }
0x44: {  	s30 =	sand.u32 $0x47, s4;
	_ =	swait.ge [sflag:s28], $0x3E80  }
0x45: {  	p1 =	sne.s32 s30, $0x7;
	s3 =	rddreg [dreg:$0x4]  }
0x46: {  	s18 =	simm.s32 @!p1 $0x0;
	[sflag:s28] =	ssyncset.done $0x0;
	s3 =	sadd.s32 @!p1 $0x0, s3  }
0x47: {  	s0 =	simm.s32 $0x1;
	[sflag:s28] =	ssyncadd.s32 $0xFFFFC180;
	s3 =	sshrl.u32 @!p1 s3, $0x3  }
0x48: {  	s17 =	sadd.s32 @!p1 s5, s3;
	s24 =	sadd.s32 @!p1 s6, s3;
	s3 =	simm.s32 $0x10000  }
.LBB2_2:
0x49: {  	[tilespmem:s19], [sflag:$0x3] =	stream.linear.gather @!p1 [hbm4b:s17+s18], $0x400, $0x38;
	[tilespmem:$0x1D000] =	vst v63  }
0x4a: {  	_ = 	snop  }
0x4b: {  	[tilespmem:s23], [sflag:$0x3] =	stream.linear.gather @!p1 [hbm4b:s24+s18], $0x400, $0x38;
	[tilespmem:$0x1D000] =	vst v63  }
0x4c: {  	_ =	swait.ge [sflag:s20], $0x2000  }
0x4d: {  	s17 =	smov.u32 s0;
	s0 =	sadd.s32 $0x1, s0;
	[sflag:s20] =	ssyncset.done $0x0  }
0x4e: {  	p0 =	sne.s32 s0, $0x4F;
	[sflag:s20] =	ssyncadd.s32 $0xFFFFE000  }
0x4f: {  	s24 =	sand.u32 $0x7, s17;
	s18 =	sshrl.u32 s17, $0x3;
	_ =	swait.ge [sflag:s21], $0x1E80  }
0x50: {  	p1 =	seq.s32 s24, $0x7;
	s7 =	sand.u32 $0x1, s18;
	[sflag:s21] =	ssyncset.done $0x0  }
0x51: {  	s19 =	simm.s32 @p1 $0x3;
	s23 =	simm.s32 @!p1 $0x40;
	[sflag:s21] =	ssyncadd.s32 $0xFFFFE180  }
0x52: {  	s25 =	sxor.u32 @p1 $0xFFFFFFFF, s18;
	s29 =	sshll.u32 @!p1 s24, $0x7;
	_ =	swait.ge @p1 [sflag:s19], $0x400  }
0x53: {  	s30 =	sxor.u32 @!p1 $0xFFFFFFFF, s3;
	s9 =	simm.s32 @p1 $0x3000;
	[sflag:s19] =	ssyncset.done @p1 $0x0  }
0x54: {  	s11 =	simm.s32 @p1 $0x40;
	s12 =	simm.s32 @p1 $0x1000;
	[sflag:s19] =	ssyncadd.s32 @p1 $0xFFFFFC00  }
0x55: {  	s8 =	sshll.u32 @!p1 s7, $0xA;
	s25 =	sshll.u32 @p1 s25, $0xA;
	_ =	swait.ge @p1 [sflag:s19], $0x400  }
0x56: {  	s30 =	sand.u32 @!p1 $0x10000, s30;
	s8 =	sor.u32 @!p1 s29, s8;
	[sflag:s19] =	ssyncset.done @p1 $0x0  }
0x57: {  	s29 =	sshll.u32 s24, $0x7;
	s25 =	sand.u32 @p1 $0x400, s25;
	[sflag:s19] =	ssyncadd.s32 @p1 $0xFFFFFC00  }
0x58: {  	[tilespmem:s12], [sflag:$0x1] =	stream.indirect.gather @p1 [hbm4b:s1+s11], $0x80, s25, s11, $0xb8;
	[tilespmem:$0x1D000] =	vst v63  }
0x59: {  	s30 =	sshrl.u32 @!p1 s30, $0x2;
	s10 =	sor.u32 @p1 $0x40, s25;
	s11 =	simm.s32 @p1 $0x3D  }
0x5a: {  	[tilespmem:s9], [sflag:$0x2] =	stream.indirect.gather @p1 [hbm4b:s1+s11], $0x80, s10, s11, $0xb8;
	[tilespmem:$0x1D000] =	vst v63  }
0x5b: {  	s19 =	sor.u32 @!p1 $0x1000, s30;
	s12 =	sor.u32 @!p1 $0x3000, s30;
	s9 =	sadd.s32 @!p1 $0x80, s8  }
0x5c: {  	[tilespmem:s19], [sflag:$0x1] =	stream.indirect.gather @!p1 [hbm4b:s1+s23], $0x80, s9, s23, $0xb8;
	[tilespmem:$0x1D000] =	vst v63  }
0x5d: {  	s8 =	sadd.s32 @!p1 $0xC0, s8;
	s11 =	sand.u32 $0x10000, s3;
	s19 =	sshll.u32 s7, $0xA  }
0x5e: {  	s10 =	sshrl.u32 s11, $0x2;
	s9 =	simm.s32 @!p1 $0x3D;
	s23 =	sor.u32 $0x800, s19  }
0x5f: {  	[tilespmem:s12], [sflag:$0x2] =	stream.indirect.gather @!p1 [hbm4b:s1+s9], $0x80, s8, s9, $0xb8;
	[tilespmem:$0x1D000] =	vst v63  }
0x60: {  	s30 =	sand.u32 $0x47, s17;
	s25 =	sor.u32 $0x1000, s10;
	s8 =	sor.u32 s29, s23  }
0x61: {  	[spmem:s2] =	stream.indirect.scatter.add.f32 [tilespmem:s25], [sflag:$0x4], $0x80, s8, s26, $0xb8;
	[tilespmem:$0x1D000] =	vst v63  }
.Ltmp0:
0x62: {  	p1 =	sne.s32 s30, $0x7;
	_ =	swait.ge [sflag:s28], $0x3E80;
	(pc) =	sbr.rel @p0 .LBB2_2-.Ltmp0, $4  }
0x63: {  	s8 =	sshll.u32 @!p1 s18, $0xA;
	s7 =	rddreg [dreg:$0x4]  }
0x64: {  	s3 =	sadd.s32 $0x10000, s3;
	s7 =	sadd.s32 @!p1 s8, s7  }
0x65: {  	s18 =	simm.s32 @!p1 $0x0;
	[sflag:s28] =	ssyncset.done $0x0;
	s7 =	sshrl.u32 @!p1 s7, $0x3  }
0x66: {  	[sflag:s28] =	ssyncadd.s32 $0xFFFFC180;
	s17 =	sadd.s32 @!p1 s5, s7;
	s24 =	sadd.s32 @!p1 s6, s7  }
0x67: {  	[tilespmem:s19], [sflag:$0x3] =	stream.linear.gather @!p1 [hbm4b:s17+s18], $0x400, $0x38;
	[tilespmem:$0x1D000] =	vst v63  }
0x68: {  	_ = 	snop  }
0x69: {  	[tilespmem:s23], [sflag:$0x3] =	stream.linear.gather @!p1 [hbm4b:s24+s18], $0x400, $0x38;
	[tilespmem:$0x1D000] =	vst v63  }
0x6a: {  	_ =	swait.ge [sflag:s20], $0x2000  }
0x6b: {  	[sflag:s20] =	ssyncset.done $0x0  }
0x6c: {  	[sflag:s20] =	ssyncadd.s32 $0xFFFFE000  }
0x6d: {  	_ =	swait.ge [sflag:s21], $0x1E80  }
0x6e: {  	[sflag:s21] =	ssyncset.done $0x0  }
0x6f: {  	s0 =	simm.s32 $0xF80;
	s3 =	simm.s32 $0x5000;
	[sflag:s21] =	ssyncadd.s32 $0xFFFFE180  }
0x70: {  	[spmem:s2] =	stream.indirect.scatter.add.f32 [tilespmem:s3], [sflag:$0x4], $0x80, s0, s26, $0xb8;
	[tilespmem:$0x1D000] =	vst v63  }
0x71: {  	_ =	swait.ge [sflag:s28], $0x3E80  }
0x72: {  	[sflag:s28] =	ssyncset.done $0x0  }
0x73: {  	[sflag:s28] =	ssyncadd.s32 $0xFFFFC180  }
0x74: {  	s31 =	sadd.s32 $0x1, s31;
	[bflag:$0x0] =	sbarrier.arrive $0xFFFF  }
0x75: {  	p0 =	sne.s32 s31, s15;
	s30 =	rddreg [dreg:$0x6]  }
.Ltmp1:
0x76: {  	s0 =	sor.u32 $0x1C04, s30;
	(pc) =	sbr.rel @p0 .LBB2_1-.Ltmp1, $4  }
0x77: {  	[hbm:s14], [sflag:s0] =	dma.local [spmem:s16], $0x2800  }
0x78: {  	_ =	swait.ge [sflag:s28], $0x2800  }
0x79: {  	[sflag:s28] =	ssyncset.done $0x0  }
0x7a: {  	[sflag:s28] =	ssyncadd.s32 $0xFFFFD800  }
0x7b: {  	_ =	sfence.sel $0x180000  }
0x7c: {  	[bflag:$0x0] =	sbarrier.arrive $0xFFFF  }
0x7d: {  	_ =	strace $0x9000004A  }
0x7e: {  	s0 =	stileid.u32;
	[bflag:$0x2] =	sbarrier.arrive $0xFFFF  }
0x7f: {  	p0 =	sne.s32 s0, $0x0;
	s0 =	rddreg [dreg:$0x3]  }
0x80: {  	s0 =	sadd.s32 @!p0 $0x100000, s0  }
0x81: {  	[sflag:s0] =	ssyncadd.tile.s32 @!p0 $0x1;
	_ =	shalt  }
.Lfunc_end2:
_tile_overlayer_lowered:
.L_overlay_start_2:
0x82: {  	(tag) =	ssettag $0x2  }
0x83: {  	s0 =	rddreg [dreg:$0x0];
	s2 =	stileid.u32  }
0x84: {  	s1 =	rddreg [dreg:$0x1];
	p0 =	sne.s32 s2, $0x0  }
0x85: {  	s3 =	rddreg [dreg:$0x2];
	[bflag:$0x3] =	sbarrier.arrive $0xFFFF;
	s2 =	simm.s32 @!p0 $0x1C04  }
0x86: {  	[timem:s3], [sflag:s2] =	dma.local @!p0 [hbm:s0], s1  }
0x87: {  	s0 =	simm.s32 @!p0 $0x4  }
0x88: {  	_ =	swait.ge @!p0 [sflag:s0], s1  }
0x89: {  	s1 =	ssub.s32 @!p0 $0x0, s1;
	[sflag:s0] =	ssyncset.done @!p0 $0x0  }
0x8a: {  	[sflag:s0] =	ssyncadd.s32 @!p0 s1  }
0x8b: {  	[bflag:$0x3] =	sbarrier.arrive $0xFFFF  }
0x8c: {  	_ =	shalt  }

</sc_bundles>
